<compile_context>
chip_gen: v7x
topology: tpu7x:2x2x1
jax: 0.10.2.dev20260603
libtpu: 0.0.44.dev20260713+nightly
codegen_flags: <defaults>
</compile_context>

<pallas_src>
import functools

import jax
import jax.numpy as jnp
from jax.experimental import pallas as pl
from jax.experimental.pallas import tpu as pltpu

_N_MEM = 50000
_E = 320000
_B = 64
_D = 128
_DSM = 64
_NSEG = 40000
_NNEW = 40000

_EBLK = 4000
_NEB = _E // _EBLK
_MBLK = 1000


def _leaky(x):
    return jnp.where(x >= 0, x, 0.01 * x)


def _tables_body(mem_ref, ml_ref, mr_ref, lw_ref, lb_ref,
                 tl_ref, tr_ref, msg_ref):
    x = mem_ref[...]
    tl_ref[...] = jnp.dot(x, ml_ref[...], preferred_element_type=jnp.float32)
    tr_ref[...] = jnp.dot(x, mr_ref[...], preferred_element_type=jnp.float32)
    msg_ref[...] = (
        jnp.dot(x, lw_ref[...], preferred_element_type=jnp.float32)
        + lb_ref[...]
    )


def _make_tables(mem, ML, MR, lin_W, lin_b):
    return pl.pallas_call(
        _tables_body,
        grid=(_N_MEM // _MBLK,),
        in_specs=[
            pl.BlockSpec((_MBLK, _D), lambda i: (i, 0)),
            pl.BlockSpec((_D, _DSM), lambda i: (0, 0)),
            pl.BlockSpec((_D, _DSM), lambda i: (0, 0)),
            pl.BlockSpec((_D, _D), lambda i: (0, 0)),
            pl.BlockSpec((1, _D), lambda i: (0, 0)),
        ],
        out_specs=[
            pl.BlockSpec((_MBLK, _DSM), lambda i: (i, 0)),
            pl.BlockSpec((_MBLK, _DSM), lambda i: (i, 0)),
            pl.BlockSpec((_MBLK, _D), lambda i: (i, 0)),
        ],
        out_shape=[
            jax.ShapeDtypeStruct((_N_MEM, _DSM), jnp.float32),
            jax.ShapeDtypeStruct((_N_MEM, _DSM), jnp.float32),
            jax.ShapeDtypeStruct((_N_MEM, _D), jnp.float32),
        ],
    )(mem, ML, MR, lin_W, lin_b.reshape(1, _D))


def _logits_body(rel_ref, tlg_ref, trg_ref, eg_ref,
                 mrl_ref, mrr_ref, qlt_ref, qrt_ref,
                 bl_ref, br_ref, cw_ref, cb_ref,
                 out_ref):
    rel = rel_ref[...]
    eg = eg_ref[...]
    onehot = (eg.reshape(_EBLK, 1)
              == jax.lax.broadcasted_iota(jnp.int32, (1, _B), 1)
              ).astype(jnp.float32)
    qlg = jnp.dot(onehot, qlt_ref[...], preferred_element_type=jnp.float32)
    qrg = jnp.dot(onehot, qrt_ref[...], preferred_element_type=jnp.float32)
    l_pre = (tlg_ref[...] + qlg + bl_ref[...]
             + jnp.dot(rel, mrl_ref[...], preferred_element_type=jnp.float32))
    r_pre = (trg_ref[...] + qrg + br_ref[...]
             + jnp.dot(rel, mrr_ref[...], preferred_element_type=jnp.float32))
    left_h = _leaky(l_pre)
    right_h = (jnp.dot(_leaky(r_pre), cw_ref[...],
                       preferred_element_type=jnp.float32) + cb_ref[...])
    out_ref[...] = jnp.sum(left_h * right_h, axis=1).reshape(1, 1, _EBLK)


def _make_logits(rel_emb, TLg, TRg, eg2d, MrelL, MrelR, QLt, QRt,
                 bias_l, bias_r, center_W, center_b):
    out = pl.pallas_call(
        _logits_body,
        grid=(_NEB,),
        in_specs=[
            pl.BlockSpec((_EBLK, _D), lambda i: (i, 0)),
            pl.BlockSpec((_EBLK, _DSM), lambda i: (i, 0)),
            pl.BlockSpec((_EBLK, _DSM), lambda i: (i, 0)),
            pl.BlockSpec((1, 1, _EBLK), lambda i: (i, 0, 0)),
            pl.BlockSpec((_D, _DSM), lambda i: (0, 0)),
            pl.BlockSpec((_D, _DSM), lambda i: (0, 0)),
            pl.BlockSpec((_B, _DSM), lambda i: (0, 0)),
            pl.BlockSpec((_B, _DSM), lambda i: (0, 0)),
            pl.BlockSpec((1, _DSM), lambda i: (0, 0)),
            pl.BlockSpec((1, _DSM), lambda i: (0, 0)),
            pl.BlockSpec((_DSM, _DSM), lambda i: (0, 0)),
            pl.BlockSpec((1, _DSM), lambda i: (0, 0)),
        ],
        out_specs=pl.BlockSpec((1, 1, _EBLK), lambda i: (i, 0, 0)),
        out_shape=jax.ShapeDtypeStruct((_NEB, 1, _EBLK), jnp.float32),
    )(rel_emb, TLg, TRg, eg2d, MrelL, MrelR, QLt, QRt,
      bias_l.reshape(1, _DSM), bias_r.reshape(1, _DSM),
      center_W, center_b.reshape(1, _DSM))
    return out


def _shr(x, d, fill):
    return jnp.concatenate(
        [jnp.full((1, d), fill, x.dtype), x[:, :-d]], axis=1)


def _shl(x, d, fill):
    return jnp.concatenate(
        [x[:, d:], jnp.full((1, d), fill, x.dtype)], axis=1)


def _lane_scalar(x, lane):
    sel = jax.lax.broadcasted_iota(jnp.int32, x.shape, 1) == lane
    return jnp.sum(jnp.where(sel, x, jnp.zeros_like(x)))


def _fwd_body(lg_ref, seg_ref, ex_ref, f_ref, cseg_ref, cc_ref, cf_ref):
    pid = pl.program_id(0)

    @pl.when(pid == 0)
    def _():
        cseg_ref[0] = -1
        cc_ref[0] = 0.0
        cf_ref[0] = 0.0

    l = lg_ref[...].reshape(1, _EBLK)
    s = seg_ref[...].reshape(1, _EBLK)
    f0 = (s != _shr(s, 1, -1)).astype(jnp.int32)
    v, fb = l, f0
    d = 1
    while d < _EBLK:
        v = jnp.where(fb > 0, v, _shr(v, d, 0.0))
        fb = jnp.maximum(fb, _shr(fb, d, 1))
        d *= 2
    mask = s == cseg_ref[0]
    c = jnp.where(mask, cc_ref[0], v)
    ex = jnp.exp(l - c)
    v2, fb2 = ex, f0
    d = 1
    while d < _EBLK:
        v2 = v2 + jnp.where(fb2 > 0, 0.0, _shr(v2, d, 0.0))
        fb2 = jnp.maximum(fb2, _shr(fb2, d, 1))
        d *= 2
    F = v2 + jnp.where(mask, cf_ref[0], 0.0)
    ex_ref[...] = ex.reshape(1, 1, _EBLK)
    f_ref[...] = F.reshape(1, 1, _EBLK)
    cseg_ref[0] = _lane_scalar(s, _EBLK - 1)
    cc_ref[0] = _lane_scalar(c, _EBLK - 1)
    cf_ref[0] = _lane_scalar(F, _EBLK - 1)


def _bwd_body(ex_ref, f_ref, seg_ref, natt_ref, t_ref, w_ref,
              cseg_ref, ct_ref):
    pid = pl.program_id(0)

    @pl.when(pid == 0)
    def _():
        cseg_ref[0] = -1
        ct_ref[0] = 0.0

    ex = ex_ref[...].reshape(1, _EBLK)
    F = f_ref[...].reshape(1, _EBLK)
    s = seg_ref[...].reshape(1, _EBLK)
    e0 = (s != _shl(s, 1, -1)).astype(jnp.int32)
    v, fb = F, e0
    d = 1
    while d < _EBLK:
        v = jnp.where(fb > 0, v, _shl(v, d, 0.0))
        fb = jnp.maximum(fb, _shl(fb, d, 1))
        d *= 2
    mask = s == cseg_ref[0]
    T = jnp.where(mask, ct_ref[0], v)
    t = ex / (T + 1e-16)
    w = t * natt_ref[...].reshape(1, _EBLK)
    t_ref[...] = t.reshape(1, 1, _EBLK)
    w_ref[...] = w.reshape(1, 1, _EBLK)
    cseg_ref[0] = _lane_scalar(s, 0)
    ct_ref[0] = _lane_scalar(T, 0)


def _seg_softmax(logits3, seg3, natt3):
    spec = pl.BlockSpec((1, 1, _EBLK), lambda i: (i, 0, 0))
    ex, F = pl.pallas_call(
        _fwd_body,
        grid=(_NEB,),
        in_specs=[spec, spec],
        out_specs=[spec, spec],
        out_shape=[jax.ShapeDtypeStruct((_NEB, 1, _EBLK), jnp.float32),
                   jax.ShapeDtypeStruct((_NEB, 1, _EBLK), jnp.float32)],
        scratch_shapes=[pltpu.SMEM((1,), jnp.int32),
                        pltpu.SMEM((1,), jnp.float32),
                        pltpu.SMEM((1,), jnp.float32)],
    )(logits3, seg3)
    rspec = pl.BlockSpec((1, 1, _EBLK), lambda i: (_NEB - 1 - i, 0, 0))
    t, w = pl.pallas_call(
        _bwd_body,
        grid=(_NEB,),
        in_specs=[rspec, rspec, rspec, rspec],
        out_specs=[rspec, rspec],
        out_shape=[jax.ShapeDtypeStruct((_NEB, 1, _EBLK), jnp.float32),
                   jax.ShapeDtypeStruct((_NEB, 1, _EBLK), jnp.float32)],
        scratch_shapes=[pltpu.SMEM((1,), jnp.int32),
                        pltpu.SMEM((1,), jnp.float32)],
    )(ex, F, seg3, natt3)
    return t, w


def kernel(node_attention, memorized_embedding, rel_emb, query_src_emb,
           query_rel_emb, query_time_emb, eg_idx, idx_vi, idx_vj,
           seg_softmax, dst_idx, proj_W, proj_b, left_W, left_b,
           right_W, right_b, center_W, center_b, lin_W, lin_b):
    f32 = jnp.float32
    L1, L2, L3, L4, L5 = (left_W[k * _DSM:(k + 1) * _DSM] for k in range(5))
    R1, R2, R3, R4, R5 = (right_W[k * _DSM:(k + 1) * _DSM] for k in range(5))
    ML = proj_W @ L1
    MR = proj_W @ R1
    MrelL = proj_W @ L2
    MrelR = proj_W @ R2
    qs = query_src_emb @ proj_W + proj_b
    qr = query_rel_emb @ proj_W + proj_b
    qt = query_time_emb @ proj_W + proj_b
    QLt = qs @ L3 + qr @ L4 + qt @ L5
    QRt = qs @ R3 + qr @ R4 + qt @ R5
    bias_l = left_b + proj_b @ L1 + proj_b @ L2
    bias_r = right_b + proj_b @ R1 + proj_b @ R2

    TL, TR, MSG = _make_tables(memorized_embedding, ML, MR, lin_W, lin_b)

    TLg = jnp.take(TL, idx_vi, axis=0)
    TRg = jnp.take(TR, idx_vj, axis=0)
    MSGg = jnp.take(MSG, idx_vj, axis=0)

    eg2d = eg_idx.reshape(_NEB, 1, _EBLK)
    logits3 = _make_logits(rel_emb, TLg, TRg, eg2d, MrelL, MrelR, QLt, QRt,
                           bias_l, bias_r, center_W, center_b)

    seg3 = seg_softmax.reshape(_NEB, 1, _EBLK)
    natt3 = node_attention.reshape(_NEB, 1, _EBLK)
    t3, w3 = _seg_softmax(logits3, seg3, natt3)
    transition = t3.reshape(_E)
    w = w3.reshape(_E)

    new_att = jax.ops.segment_sum(w, dst_idx, num_segments=_NNEW)
    upd = jax.ops.segment_sum(transition[:, None] * MSGg, dst_idx,
                              num_segments=_NNEW)
    return (new_att, upd)

# --- scband reference (transcript-rebuilt; emitter-appended) ---
"""Pipeline reference for scband-t-dpmpn-420906795221 (READ-ONLY COPY).

The authoritative reference and input builder live on the scoring server;
editing this copy changes nothing except your own understanding.
"""

import jax, jax.numpy as jnp
import numpy as np

N_MEM = 50000
E = 320000
B = 64
D = 128
DSM = 64
NSEG = 40000
NNEW = 40000


def setup_inputs(seed: int = 0) -> dict:
    key = jax.random.key(seed)
    ks = jax.random.split(key, 24)
    inp = {}
    inp["node_attention"] = jax.random.uniform(ks[0], (E,), dtype=jnp.float32)
    inp["memorized_embedding"] = jax.random.normal(ks[1], (N_MEM, D), dtype=jnp.float32)
    inp["rel_emb"] = jax.random.normal(ks[2], (E, D), dtype=jnp.float32)
    inp["query_src_emb"] = jax.random.normal(ks[3], (B, D), dtype=jnp.float32)
    inp["query_rel_emb"] = jax.random.normal(ks[4], (B, D), dtype=jnp.float32)
    inp["query_time_emb"] = jax.random.normal(ks[5], (B, D), dtype=jnp.float32)
    inp["eg_idx"] = jnp.sort(jax.random.randint(ks[6], (E,), 0, B, dtype=jnp.int32))
    inp["idx_vi"] = jax.random.randint(ks[7], (E,), 0, N_MEM, dtype=jnp.int32)
    inp["idx_vj"] = jax.random.randint(ks[8], (E,), 0, N_MEM, dtype=jnp.int32)
    inp["seg_softmax"] = jnp.sort(jax.random.randint(ks[9], (E,), 0, NSEG, dtype=jnp.int32))
    inp["dst_idx"] = jax.random.randint(ks[10], (E,), 0, NNEW, dtype=jnp.int32)
    # learned parameters (AttentionFlow: proj, transition_fn G, linear)
    inp["proj_W"] = jax.random.normal(ks[11], (D, DSM), dtype=jnp.float32) * np.sqrt(1.0 / D)
    inp["proj_b"] = jnp.zeros((DSM,), dtype=jnp.float32)
    inp["left_W"] = jax.random.normal(ks[12], (5 * DSM, DSM), dtype=jnp.float32) * np.sqrt(2.0 / (5 * DSM))
    inp["left_b"] = jnp.zeros((DSM,), dtype=jnp.float32)
    inp["right_W"] = jax.random.normal(ks[13], (5 * DSM, DSM), dtype=jnp.float32) * np.sqrt(2.0 / (5 * DSM))
    inp["right_b"] = jnp.zeros((DSM,), dtype=jnp.float32)
    inp["center_W"] = jax.random.normal(ks[14], (DSM, DSM), dtype=jnp.float32) * np.sqrt(2.0 / (2 * DSM))
    inp["center_b"] = jnp.zeros((DSM,), dtype=jnp.float32)
    inp["lin_W"] = jax.random.normal(ks[15], (D, D), dtype=jnp.float32) * np.sqrt(1.0 / D)
    inp["lin_b"] = jnp.zeros((D,), dtype=jnp.float32)
    return inp


def _leaky_relu(x):
    return jnp.where(x >= 0, x, 0.01 * x)


def reference(node_attention, memorized_embedding, rel_emb, query_src_emb, query_rel_emb,
              query_time_emb, eg_idx, idx_vi, idx_vj, seg_softmax, dst_idx,
              proj_W, proj_b, left_W, left_b, right_W, right_b, center_W, center_b,
              lin_W, lin_b):
    proj = lambda x: x @ proj_W + proj_b
    # project query / relation embeddings to small dim
    q_src = proj(query_src_emb)
    q_rel = proj(query_rel_emb)
    q_time = proj(query_time_emb)
    rel = proj(rel_emb)
    # gather memorized node embeddings for edge endpoints (vi, vj)
    hidden_vi_orig = jnp.take(memorized_embedding, idx_vi, axis=0)
    hidden_vj_orig = jnp.take(memorized_embedding, idx_vj, axis=0)
    hidden_vi = proj(hidden_vi_orig)
    hidden_vj = proj(hidden_vj_orig)
    # repeat query vectors per-edge via eg_idx gather
    qs = jnp.take(q_src, eg_idx, axis=0)
    qr = jnp.take(q_rel, eg_idx, axis=0)
    qt = jnp.take(q_time, eg_idx, axis=0)
    # transition_fn G: bilinear mapping sum(leaky(MLP1(left)) * center(leaky(MLP2(right))))
    left_x = jnp.concatenate([hidden_vi, rel, qs, qr, qt], axis=-1)
    right_x = jnp.concatenate([hidden_vj, rel, qs, qr, qt], axis=-1)
    left_h = _leaky_relu(left_x @ left_W + left_b)
    right_h = _leaky_relu(right_x @ right_W + right_b) @ center_W + center_b
    transition_logits = jnp.sum(left_h * right_h, axis=-1)
    # segment softmax over (eg_idx, vi, ti) groups (column 6 of selected_edges)
    seg_max = jax.ops.segment_max(transition_logits, seg_softmax, num_segments=NSEG)
    ex = jnp.exp(transition_logits - seg_max[seg_softmax])
    seg_sum = jax.ops.segment_sum(ex, seg_softmax, num_segments=NSEG)
    transition = ex / (seg_sum[seg_softmax] + 1e-16)
    # sparse mm [NNEW, E] @ node_attention -> attending node attention (scatter-add)
    new_node_attention = jax.ops.segment_sum(transition * node_attention, dst_idx, num_segments=NNEW)
    # updated node representation: sparse mm with linear(hidden_vj_orig)
    msgs = hidden_vj_orig @ lin_W + lin_b
    updated_node_representation = jax.ops.segment_sum(transition[:, None] * msgs, dst_idx, num_segments=NNEW)
    return (new_node_attention, updated_node_representation)

if __name__ == "__main__":
    import jax
    _d = setup_inputs()
    print(jax.jit(kernel)(*tuple(_d.values())))

</pallas_src>

<mosaic_0001>
module attributes {stable_mosaic.version = 14 : i64} {
  func.func @_tables_body(%arg0: i32, %arg1: memref<1000x128xf32, #tpu.memory_space<vmem>>, %arg2: memref<128x64xf32, #tpu.memory_space<vmem>>, %arg3: memref<128x64xf32, #tpu.memory_space<vmem>>, %arg4: memref<128x128xf32, #tpu.memory_space<vmem>>, %arg5: memref<1x128xf32, #tpu.memory_space<vmem>>, %arg6: memref<1000x64xf32, #tpu.memory_space<vmem>>, %arg7: memref<1000x64xf32, #tpu.memory_space<vmem>>, %arg8: memref<1000x128xf32, #tpu.memory_space<vmem>>) attributes {dimension_semantics = [#tpu.dimension_semantics<arbitrary>], iteration_bounds = array<i64: 50>, scalar_prefetch = 0 : i64, scratch_operands = 0 : i64, tpu.core_type = #tpu.core_type<tc>, window_params = [{transform_indices = @transform_0, window_bounds = array<i64: 1000, 128>}, {pipeline_mode = #tpu.pipeline_mode<synchronous>, transform_indices = @transform_1, window_bounds = array<i64: 128, 64>}, {pipeline_mode = #tpu.pipeline_mode<synchronous>, transform_indices = @transform_2, window_bounds = array<i64: 128, 64>}, {pipeline_mode = #tpu.pipeline_mode<synchronous>, transform_indices = @transform_3, window_bounds = array<i64: 128, 128>}, {pipeline_mode = #tpu.pipeline_mode<synchronous>, transform_indices = @transform_4, window_bounds = array<i64: 1, 128>}, {transform_indices = @transform_5, window_bounds = array<i64: 1000, 64>}, {transform_indices = @transform_6, window_bounds = array<i64: 1000, 64>}, {transform_indices = @transform_7, window_bounds = array<i64: 1000, 128>}]} {
    %get3A = arith.constant 0 : index
    %get3A_0 = arith.constant 0 : index
    %get3A_1 = vector.load %arg1[%get3A, %get3A_0] : memref<1000x128xf32, #tpu.memory_space<vmem>>, vector<1000x128xf32>
    %get3A_2 = arith.constant 0 : index
    %get3A_3 = arith.constant 0 : index
    %get3A_4 = vector.load %arg2[%get3A_2, %get3A_3] : memref<128x64xf32, #tpu.memory_space<vmem>>, vector<128x64xf32>
    %dot_general3A = arith.constant dense<0.000000e+00> : vector<1000x64xf32>
    %dot_general3A_5 = tpu.matmul %get3A_1, %get3A_4, %dot_general3A {dimension_numbers = #tpu.dot_dimension_numbers<[1], [0], [0], [1], [0, 0, 1, 1], [], []>, transpose_lhs_hint = false} : vector<1000x128xf32>, vector<128x64xf32>, vector<1000x64xf32> -> vector<1000x64xf32>
    %swap3A = arith.constant 0 : index
    %swap3A_6 = arith.constant 0 : index
    %swap3A_7 = vector.load %arg6[%swap3A, %swap3A_6] : memref<1000x64xf32, #tpu.memory_space<vmem>>, vector<1000x64xf32>
    tpu.vector_store %arg6[%swap3A, %swap3A_6], %dot_general3A_5 {strides = array<i32>} : memref<1000x64xf32, #tpu.memory_space<vmem>>, vector<1000x64xf32>,
    %get3A_8 = arith.constant 0 : index
    %get3A_9 = arith.constant 0 : index
    %get3A_10 = vector.load %arg3[%get3A_8, %get3A_9] : memref<128x64xf32, #tpu.memory_space<vmem>>, vector<128x64xf32>
    %dot_general3A_11 = arith.constant dense<0.000000e+00> : vector<1000x64xf32>
    %dot_general3A_12 = tpu.matmul %get3A_1, %get3A_10, %dot_general3A_11 {dimension_numbers = #tpu.dot_dimension_numbers<[1], [0], [0], [1], [0, 0, 1, 1], [], []>, transpose_lhs_hint = false} : vector<1000x128xf32>, vector<128x64xf32>, vector<1000x64xf32> -> vector<1000x64xf32>
    %swap3A_13 = arith.constant 0 : index
    %swap3A_14 = arith.constant 0 : index
    %swap3A_15 = vector.load %arg7[%swap3A_13, %swap3A_14] : memref<1000x64xf32, #tpu.memory_space<vmem>>, vector<1000x64xf32>
    tpu.vector_store %arg7[%swap3A_13, %swap3A_14], %dot_general3A_12 {strides = array<i32>} : memref<1000x64xf32, #tpu.memory_space<vmem>>, vector<1000x64xf32>,
    %get3A_16 = arith.constant 0 : index
    %get3A_17 = arith.constant 0 : index
    %get3A_18 = vector.load %arg4[%get3A_16, %get3A_17] : memref<128x128xf32, #tpu.memory_space<vmem>>, vector<128x128xf32>
    %dot_general3A_19 = arith.constant dense<0.000000e+00> : vector<1000x128xf32>
    %dot_general3A_20 = tpu.matmul %get3A_1, %get3A_18, %dot_general3A_19 {dimension_numbers = #tpu.dot_dimension_numbers<[1], [0], [0], [1], [0, 0, 1, 1], [], []>, transpose_lhs_hint = false} : vector<1000x128xf32>, vector<128x128xf32>, vector<1000x128xf32> -> vector<1000x128xf32>
    %get3A_21 = arith.constant 0 : index
    %get3A_22 = arith.constant 0 : index
    %get3A_23 = vector.load %arg5[%get3A_21, %get3A_22] : memref<1x128xf32, #tpu.memory_space<vmem>>, vector<1x128xf32>
    %add3A = vector.broadcast %get3A_23 : vector<1x128xf32> to vector<1000x128xf32>
    %add3A_24 = arith.addf %dot_general3A_20, %add3A : vector<1000x128xf32>
    %swap3A_25 = arith.constant 0 : index
    %swap3A_26 = arith.constant 0 : index
    %swap3A_27 = vector.load %arg8[%swap3A_25, %swap3A_26] : memref<1000x128xf32, #tpu.memory_space<vmem>>, vector<1000x128xf32>
    tpu.vector_store %arg8[%swap3A_25, %swap3A_26], %add3A_24 {strides = array<i32>} : memref<1000x128xf32, #tpu.memory_space<vmem>>, vector<1000x128xf32>,
    return
  }
  func.func @transform_0(%arg0: i32) -> (i32, i32) {
    %c0_i32 = arith.constant 0 : i32
    %c0_i32_0 = arith.constant 0 : i32
    return %arg0, %c0_i32 : i32, i32
  }
  func.func @transform_1(%arg0: i32) -> (i32, i32) {
    %c0_i32 = arith.constant 0 : i32
    %c0_i32_0 = arith.constant 0 : i32
    %c0_i32_1 = arith.constant 0 : i32
    return %c0_i32, %c0_i32_0 : i32, i32
  }
  func.func @transform_2(%arg0: i32) -> (i32, i32) {
    %c0_i32 = arith.constant 0 : i32
    %c0_i32_0 = arith.constant 0 : i32
    %c0_i32_1 = arith.constant 0 : i32
    return %c0_i32, %c0_i32_0 : i32, i32
  }
  func.func @transform_3(%arg0: i32) -> (i32, i32) {
    %c0_i32 = arith.constant 0 : i32
    %c0_i32_0 = arith.constant 0 : i32
    %c0_i32_1 = arith.constant 0 : i32
    return %c0_i32, %c0_i32_0 : i32, i32
  }
  func.func @transform_4(%arg0: i32) -> (i32, i32) {
    %c0_i32 = arith.constant 0 : i32
    %c0_i32_0 = arith.constant 0 : i32
    %c0_i32_1 = arith.constant 0 : i32
    return %c0_i32, %c0_i32_0 : i32, i32
  }
  func.func @transform_5(%arg0: i32) -> (i32, i32) {
    %c0_i32 = arith.constant 0 : i32
    %c0_i32_0 = arith.constant 0 : i32
    return %arg0, %c0_i32 : i32, i32
  }
  func.func @transform_6(%arg0: i32) -> (i32, i32) {
    %c0_i32 = arith.constant 0 : i32
    %c0_i32_0 = arith.constant 0 : i32
    return %arg0, %c0_i32 : i32, i32
  }
  func.func @transform_7(%arg0: i32) -> (i32, i32) {
    %c0_i32 = arith.constant 0 : i32
    %c0_i32_0 = arith.constant 0 : i32
    return %arg0, %c0_i32 : i32, i32
  }
}

module attributes {stable_mosaic.version = 14 : i64} {
  func.func @_logits_body(%arg0: i32, %arg1: memref<4000x128xf32, #tpu.memory_space<vmem>>, %arg2: memref<4000x64xf32, #tpu.memory_space<vmem>>, %arg3: memref<4000x64xf32, #tpu.memory_space<vmem>>, %arg4: memref<1x1x4000xi32, #tpu.memory_space<vmem>>, %arg5: memref<128x64xf32, #tpu.memory_space<vmem>>, %arg6: memref<128x64xf32, #tpu.memory_space<vmem>>, %arg7: memref<64x64xf32, #tpu.memory_space<vmem>>, %arg8: memref<64x64xf32, #tpu.memory_space<vmem>>, %arg9: memref<1x64xf32, #tpu.memory_space<vmem>>, %arg10: memref<1x64xf32, #tpu.memory_space<vmem>>, %arg11: memref<64x64xf32, #tpu.memory_space<vmem>>, %arg12: memref<1x64xf32, #tpu.memory_space<vmem>>, %arg13: memref<1x1x4000xf32, #tpu.memory_space<vmem>>) attributes {dimension_semantics = [#tpu.dimension_semantics<arbitrary>], iteration_bounds = array<i64: 80>, scalar_prefetch = 0 : i64, scratch_operands = 0 : i64, tpu.core_type = #tpu.core_type<tc>, window_params = [{transform_indices = @transform_0, window_bounds = array<i64: 4000, 128>}, {transform_indices = @transform_1, window_bounds = array<i64: 4000, 64>}, {transform_indices = @transform_2, window_bounds = array<i64: 4000, 64>}, {transform_indices = @transform_3, window_bounds = array<i64: 1, 1, 4000>}, {pipeline_mode = #tpu.pipeline_mode<synchronous>, transform_indices = @transform_4, window_bounds = array<i64: 128, 64>}, {pipeline_mode = #tpu.pipeline_mode<synchronous>, transform_indices = @transform_5, window_bounds = array<i64: 128, 64>}, {pipeline_mode = #tpu.pipeline_mode<synchronous>, transform_indices = @transform_6, window_bounds = array<i64: 64, 64>}, {pipeline_mode = #tpu.pipeline_mode<synchronous>, transform_indices = @transform_7, window_bounds = array<i64: 64, 64>}, {pipeline_mode = #tpu.pipeline_mode<synchronous>, transform_indices = @transform_8, window_bounds = array<i64: 1, 64>}, {pipeline_mode = #tpu.pipeline_mode<synchronous>, transform_indices = @transform_9, window_bounds = array<i64: 1, 64>}, {pipeline_mode = #tpu.pipeline_mode<synchronous>, transform_indices = @transform_10, window_bounds = array<i64: 64, 64>}, {pipeline_mode = #tpu.pipeline_mode<synchronous>, transform_indices = @transform_11, window_bounds = array<i64: 1, 64>}, {transform_indices = @transform_12, window_bounds = array<i64: 1, 1, 4000>}]} {
    %get3A = arith.constant 0 : index
    %get3A_0 = arith.constant 0 : index
    %get3A_1 = vector.load %arg1[%get3A, %get3A_0] : memref<4000x128xf32, #tpu.memory_space<vmem>>, vector<4000x128xf32>
    %get3A_2 = arith.constant 0 : index
    %get3A_3 = arith.constant 0 : index
    %get3A_4 = arith.constant 0 : index
    %get3A_5 = vector.load %arg4[%get3A_2, %get3A_3, %get3A_4] : memref<1x1x4000xi32, #tpu.memory_space<vmem>>, vector<1x1x4000xi32>
    %reshape3A = vector.shape_cast %get3A_5 : vector<1x1x4000xi32> to vector<4000x1xi32>
    %iota3A = tpu.iota {dimensions = array<i32: 1>} : vector<1x64xi32>
    %eq3A = vector.broadcast %reshape3A : vector<4000x1xi32> to vector<4000x64xi32>
    %eq3A_6 = vector.broadcast %iota3A : vector<1x64xi32> to vector<4000x64xi32>
    %eq3A_7 = arith.cmpi eq, %eq3A, %eq3A_6 : vector<4000x64xi32>
    %convert_element_type3A = arith.extui %eq3A_7 : vector<4000x64xi1> to vector<4000x64xi32>
    %convert_element_type3A_8 = arith.sitofp %convert_element_type3A : vector<4000x64xi32> to vector<4000x64xf32>
    %get3A_9 = arith.constant 0 : index
    %get3A_10 = arith.constant 0 : index
    %get3A_11 = vector.load %arg7[%get3A_9, %get3A_10] : memref<64x64xf32, #tpu.memory_space<vmem>>, vector<64x64xf32>
    %dot_general3A = arith.constant dense<0.000000e+00> : vector<4000x64xf32>
    %dot_general3A_12 = tpu.matmul %convert_element_type3A_8, %get3A_11, %dot_general3A {dimension_numbers = #tpu.dot_dimension_numbers<[1], [0], [0], [1], [0, 0, 1, 1], [], []>, transpose_lhs_hint = false} : vector<4000x64xf32>, vector<64x64xf32>, vector<4000x64xf32> -> vector<4000x64xf32>
    %get3A_13 = arith.constant 0 : index
    %get3A_14 = arith.constant 0 : index
    %get3A_15 = vector.load %arg8[%get3A_13, %get3A_14] : memref<64x64xf32, #tpu.memory_space<vmem>>, vector<64x64xf32>
    %dot_general3A_16 = arith.constant dense<0.000000e+00> : vector<4000x64xf32>
    %dot_general3A_17 = tpu.matmul %convert_element_type3A_8, %get3A_15, %dot_general3A_16 {dimension_numbers = #tpu.dot_dimension_numbers<[1], [0], [0], [1], [0, 0, 1, 1], [], []>, transpose_lhs_hint = false} : vector<4000x64xf32>, vector<64x64xf32>, vector<4000x64xf32> -> vector<4000x64xf32>
    %get3A_18 = arith.constant 0 : index
    %get3A_19 = arith.constant 0 : index
    %get3A_20 = vector.load %arg2[%get3A_18, %get3A_19] : memref<4000x64xf32, #tpu.memory_space<vmem>>, vector<4000x64xf32>
    %add3A = arith.addf %get3A_20, %dot_general3A_12 : vector<4000x64xf32>
    %get3A_21 = arith.constant 0 : index
    %get3A_22 = arith.constant 0 : index
    %get3A_23 = vector.load %arg9[%get3A_21, %get3A_22] : memref<1x64xf32, #tpu.memory_space<vmem>>, vector<1x64xf32>
    %add3A_24 = vector.broadcast %get3A_23 : vector<1x64xf32> to vector<4000x64xf32>
    %add3A_25 = arith.addf %add3A, %add3A_24 : vector<4000x64xf32>
    %get3A_26 = arith.constant 0 : index
    %get3A_27 = arith.constant 0 : index
    %get3A_28 = vector.load %arg5[%get3A_26, %get3A_27] : memref<128x64xf32, #tpu.memory_space<vmem>>, vector<128x64xf32>
    %dot_general3A_29 = arith.constant dense<0.000000e+00> : vector<4000x64xf32>
    %dot_general3A_30 = tpu.matmul %get3A_1, %get3A_28, %dot_general3A_29 {dimension_numbers = #tpu.dot_dimension_numbers<[1], [0], [0], [1], [0, 0, 1, 1], [], []>, transpose_lhs_hint = false} : vector<4000x128xf32>, vector<128x64xf32>, vector<4000x64xf32> -> vector<4000x64xf32>
    %add3A_31 = arith.addf %add3A_25, %dot_general3A_30 : vector<4000x64xf32>
    %get3A_32 = arith.constant 0 : index
    %get3A_33 = arith.constant 0 : index
    %get3A_34 = vector.load %arg3[%get3A_32, %get3A_33] : memref<4000x64xf32, #tpu.memory_space<vmem>>, vector<4000x64xf32>
    %add3A_35 = arith.addf %get3A_34, %dot_general3A_17 : vector<4000x64xf32>
    %get3A_36 = arith.constant 0 : index
    %get3A_37 = arith.constant 0 : index
    %get3A_38 = vector.load %arg10[%get3A_36, %get3A_37] : memref<1x64xf32, #tpu.memory_space<vmem>>, vector<1x64xf32>
    %add3A_39 = vector.broadcast %get3A_38 : vector<1x64xf32> to vector<4000x64xf32>
    %add3A_40 = arith.addf %add3A_35, %add3A_39 : vector<4000x64xf32>
    %get3A_41 = arith.constant 0 : index
    %get3A_42 = arith.constant 0 : index
    %get3A_43 = vector.load %arg6[%get3A_41, %get3A_42] : memref<128x64xf32, #tpu.memory_space<vmem>>, vector<128x64xf32>
    %dot_general3A_44 = arith.constant dense<0.000000e+00> : vector<4000x64xf32>
    %dot_general3A_45 = tpu.matmul %get3A_1, %get3A_43, %dot_general3A_44 {dimension_numbers = #tpu.dot_dimension_numbers<[1], [0], [0], [1], [0, 0, 1, 1], [], []>, transpose_lhs_hint = false} : vector<4000x128xf32>, vector<128x64xf32>, vector<4000x64xf32> -> vector<4000x64xf32>
    %add3A_46 = arith.addf %add3A_40, %dot_general3A_45 : vector<4000x64xf32>
    %ge3A = arith.constant 0.000000e+00 : f32
    %ge3A_47 = vector.broadcast %ge3A : f32 to vector<4000x64xf32>
    %ge3A_48 = arith.cmpf oge, %add3A_31, %ge3A_47 : vector<4000x64xf32>
    %mul3A = arith.constant 0.00999999977 : f32
    %mul3A_49 = vector.broadcast %mul3A : f32 to vector<4000x64xf32>
    %mul3A_50 = arith.mulf %mul3A_49, %add3A_31 : vector<4000x64xf32>
    %select_n3A = arith.select %ge3A_48, %add3A_31, %mul3A_50 : vector<4000x64xi1>, vector<4000x64xf32>
    %ge3A_51 = arith.constant 0.000000e+00 : f32
    %ge3A_52 = vector.broadcast %ge3A_51 : f32 to vector<4000x64xf32>
    %ge3A_53 = arith.cmpf oge, %add3A_46, %ge3A_52 : vector<4000x64xf32>
    %mul3A_54 = arith.constant 0.00999999977 : f32
    %mul3A_55 = vector.broadcast %mul3A_54 : f32 to vector<4000x64xf32>
    %mul3A_56 = arith.mulf %mul3A_55, %add3A_46 : vector<4000x64xf32>
    %select_n3A_57 = arith.select %ge3A_53, %add3A_46, %mul3A_56 : vector<4000x64xi1>, vector<4000x64xf32>
    %get3A_58 = arith.constant 0 : index
    %get3A_59 = arith.constant 0 : index
    %get3A_60 = vector.load %arg11[%get3A_58, %get3A_59] : memref<64x64xf32, #tpu.memory_space<vmem>>, vector<64x64xf32>
    %dot_general3A_61 = arith.constant dense<0.000000e+00> : vector<4000x64xf32>
    %dot_general3A_62 = tpu.matmul %select_n3A_57, %get3A_60, %dot_general3A_61 {dimension_numbers = #tpu.dot_dimension_numbers<[1], [0], [0], [1], [0, 0, 1, 1], [], []>, transpose_lhs_hint = false} : vector<4000x64xf32>, vector<64x64xf32>, vector<4000x64xf32> -> vector<4000x64xf32>
    %get3A_63 = arith.constant 0 : index
    %get3A_64 = arith.constant 0 : index
    %get3A_65 = vector.load %arg12[%get3A_63, %get3A_64] : memref<1x64xf32, #tpu.memory_space<vmem>>, vector<1x64xf32>
    %add3A_66 = vector.broadcast %get3A_65 : vector<1x64xf32> to vector<4000x64xf32>
    %add3A_67 = arith.addf %dot_general3A_62, %add3A_66 : vector<4000x64xf32>
    %mul3A_68 = arith.mulf %select_n3A, %add3A_67 : vector<4000x64xf32>
    %reduce_sum3A = arith.constant dense<0.000000e+00> : vector<4000xf32>
    %reduce_sum3A_69 = vector.multi_reduction <add>, %mul3A_68, %reduce_sum3A [1] : vector<4000x64xf32> to vector<4000xf32>
    %reshape3A_70 = vector.shape_cast %reduce_sum3A_69 : vector<4000xf32> to vector<1x1x4000xf32>
    %swap3A = arith.constant 0 : index
    %swap3A_71 = arith.constant 0 : index
    %swap3A_72 = arith.constant 0 : index
    %swap3A_73 = vector.load %arg13[%swap3A, %swap3A_71, %swap3A_72] : memref<1x1x4000xf32, #tpu.memory_space<vmem>>, vector<1x1x4000xf32>
    tpu.vector_store %arg13[%swap3A, %swap3A_71, %swap3A_72], %reshape3A_70 {strides = array<i32>} : memref<1x1x4000xf32, #tpu.memory_space<vmem>>, vector<1x1x4000xf32>,
    return
  }
  func.func @transform_0(%arg0: i32) -> (i32, i32) {
    %c0_i32 = arith.constant 0 : i32
    %c0_i32_0 = arith.constant 0 : i32
    return %arg0, %c0_i32 : i32, i32
  }
  func.func @transform_1(%arg0: i32) -> (i32, i32) {
    %c0_i32 = arith.constant 0 : i32
    %c0_i32_0 = arith.constant 0 : i32
    return %arg0, %c0_i32 : i32, i32
  }
  func.func @transform_2(%arg0: i32) -> (i32, i32) {
    %c0_i32 = arith.constant 0 : i32
    %c0_i32_0 = arith.constant 0 : i32
    return %arg0, %c0_i32 : i32, i32
  }
  func.func @transform_3(%arg0: i32) -> (i32, i32, i32) {
    %c0_i32 = arith.constant 0 : i32
    %c0_i32_0 = arith.constant 0 : i32
    %c0_i32_1 = arith.constant 0 : i32
    return %arg0, %c0_i32, %c0_i32_0 : i32, i32, i32
  }
  func.func @transform_4(%arg0: i32) -> (i32, i32) {
    %c0_i32 = arith.constant 0 : i32
    %c0_i32_0 = arith.constant 0 : i32
    %c0_i32_1 = arith.constant 0 : i32
    return %c0_i32, %c0_i32_0 : i32, i32
  }
  func.func @transform_5(%arg0: i32) -> (i32, i32) {
    %c0_i32 = arith.constant 0 : i32
    %c0_i32_0 = arith.constant 0 : i32
    %c0_i32_1 = arith.constant 0 : i32
    return %c0_i32, %c0_i32_0 : i32, i32
  }
  func.func @transform_6(%arg0: i32) -> (i32, i32) {
    %c0_i32 = arith.constant 0 : i32
    %c0_i32_0 = arith.constant 0 : i32
    %c0_i32_1 = arith.constant 0 : i32
    return %c0_i32, %c0_i32_0 : i32, i32
  }
  func.func @transform_7(%arg0: i32) -> (i32, i32) {
    %c0_i32 = arith.constant 0 : i32
    %c0_i32_0 = arith.constant 0 : i32
    %c0_i32_1 = arith.constant 0 : i32
    return %c0_i32, %c0_i32_0 : i32, i32
  }
  func.func @transform_8(%arg0: i32) -> (i32, i32) {
    %c0_i32 = arith.constant 0 : i32
    %c0_i32_0 = arith.constant 0 : i32
    %c0_i32_1 = arith.constant 0 : i32
    return %c0_i32, %c0_i32_0 : i32, i32
  }
  func.func @transform_9(%arg0: i32) -> (i32, i32) {
    %c0_i32 = arith.constant 0 : i32
    %c0_i32_0 = arith.constant 0 : i32
    %c0_i32_1 = arith.constant 0 : i32
    return %c0_i32, %c0_i32_0 : i32, i32
  }
  func.func @transform_10(%arg0: i32) -> (i32, i32) {
    %c0_i32 = arith.constant 0 : i32
    %c0_i32_0 = arith.constant 0 : i32
    %c0_i32_1 = arith.constant 0 : i32
    return %c0_i32, %c0_i32_0 : i32, i32
  }
  func.func @transform_11(%arg0: i32) -> (i32, i32) {
    %c0_i32 = arith.constant 0 : i32
    %c0_i32_0 = arith.constant 0 : i32
    %c0_i32_1 = arith.constant 0 : i32
    return %c0_i32, %c0_i32_0 : i32, i32
  }
  func.func @transform_12(%arg0: i32) -> (i32, i32, i32) {
    %c0_i32 = arith.constant 0 : i32
    %c0_i32_0 = arith.constant 0 : i32
    %c0_i32_1 = arith.constant 0 : i32
    return %arg0, %c0_i32, %c0_i32_0 : i32, i32, i32
  }
}

module attributes {stable_mosaic.version = 14 : i64} {
  func.func @_fwd_body(%arg0: i32, %arg1: memref<1x1x4000xf32, #tpu.memory_space<vmem>>, %arg2: memref<1x1x4000xi32, #tpu.memory_space<vmem>>, %arg3: memref<1x1x4000xf32, #tpu.memory_space<vmem>>, %arg4: memref<1x1x4000xf32, #tpu.memory_space<vmem>>, %arg5: memref<1xi32, #tpu.memory_space<smem>>, %arg6: memref<1xf32, #tpu.memory_space<smem>>, %arg7: memref<1xf32, #tpu.memory_space<smem>>) attributes {dimension_semantics = [#tpu.dimension_semantics<arbitrary>], iteration_bounds = array<i64: 80>, scalar_prefetch = 0 : i64, scratch_operands = 3 : i64, tpu.core_type = #tpu.core_type<tc>, window_params = [{transform_indices = @transform_0, window_bounds = array<i64: 1, 1, 4000>}, {transform_indices = @transform_1, window_bounds = array<i64: 1, 1, 4000>}, {transform_indices = @transform_2, window_bounds = array<i64: 1, 1, 4000>}, {transform_indices = @transform_3, window_bounds = array<i64: 1, 1, 4000>}]} {
    %eq3A = arith.constant 0 : i32
    %eq3A_0 = arith.cmpi eq, %arg0, %eq3A : i32
    %convert_element_type3A = arith.extui %eq3A_0 : i1 to i32
    %cond3A = arith.constant 0 : i32
    %cond3A_1 = arith.cmpi ne, %convert_element_type3A, %cond3A : i32
    scf.if %cond3A_1 {
      %swap3A_409 = arith.constant -1 : i32
      %swap3A_410 = arith.constant 0 : index
      %swap3A_411 = memref.load %arg5[%swap3A_410] : memref<1xi32, #tpu.memory_space<smem>>
      memref.store %swap3A_409, %arg5[%swap3A_410] : memref<1xi32, #tpu.memory_space<smem>>
      %swap3A_412 = arith.constant 0.000000e+00 : f32
      %swap3A_413 = arith.constant 0 : index
      %swap3A_414 = memref.load %arg6[%swap3A_413] : memref<1xf32, #tpu.memory_space<smem>>
      memref.store %swap3A_412, %arg6[%swap3A_413] : memref<1xf32, #tpu.memory_space<smem>>
      %swap3A_415 = arith.constant 0.000000e+00 : f32
      %swap3A_416 = arith.constant 0 : index
      %swap3A_417 = memref.load %arg7[%swap3A_416] : memref<1xf32, #tpu.memory_space<smem>>
      memref.store %swap3A_415, %arg7[%swap3A_416] : memref<1xf32, #tpu.memory_space<smem>>
    } else {
    }
    %get3A = arith.constant 0 : index
    %get3A_2 = arith.constant 0 : index
    %get3A_3 = arith.constant 0 : index
    %get3A_4 = vector.load %arg1[%get3A, %get3A_2, %get3A_3] : memref<1x1x4000xf32, #tpu.memory_space<vmem>>, vector<1x1x4000xf32>
    %reshape3A = vector.shape_cast %get3A_4 : vector<1x1x4000xf32> to vector<1x4000xf32>
    %get3A_5 = arith.constant 0 : index
    %get3A_6 = arith.constant 0 : index
    %get3A_7 = arith.constant 0 : index
    %get3A_8 = vector.load %arg2[%get3A_5, %get3A_6, %get3A_7] : memref<1x1x4000xi32, #tpu.memory_space<vmem>>, vector<1x1x4000xi32>
    %reshape3A_9 = vector.shape_cast %get3A_8 : vector<1x1x4000xi32> to vector<1x4000xi32>
    %broadcast_in_dim3A = arith.constant -1 : i32
    %broadcast_in_dim3A_10 = vector.broadcast %broadcast_in_dim3A : i32 to vector<1x1xi32>
    %slice3A = vector.extract_strided_slice %reshape3A_9 {offsets = [0, 0], sizes = [1, 3999], strides = [1, 1]} : vector<1x4000xi32> to vector<1x3999xi32>
    %concatenate3A = tpu.concatenate %broadcast_in_dim3A_10, %slice3A in 1 : vector<1x1xi32>, vector<1x3999xi32> -> vector<1x4000xi32>
    %ne3A = arith.cmpi ne, %reshape3A_9, %concatenate3A : vector<1x4000xi32>
    %convert_element_type3A_11 = arith.extui %ne3A : vector<1x4000xi1> to vector<1x4000xi32>
    %gt3A = arith.constant 0 : i32
    %gt3A_12 = vector.broadcast %gt3A : i32 to vector<1x4000xi32>
    %gt3A_13 = arith.cmpi sgt, %convert_element_type3A_11, %gt3A_12 : vector<1x4000xi32>
    %broadcast_in_dim3A_14 = arith.constant 0.000000e+00 : f32
    %broadcast_in_dim3A_15 = vector.broadcast %broadcast_in_dim3A_14 : f32 to vector<1x1xf32>
    %slice3A_16 = vector.extract_strided_slice %reshape3A {offsets = [0, 0], sizes = [1, 3999], strides = [1, 1]} : vector<1x4000xf32> to vector<1x3999xf32>
    %concatenate3A_17 = tpu.concatenate %broadcast_in_dim3A_15, %slice3A_16 in 1 : vector<1x1xf32>, vector<1x3999xf32> -> vector<1x4000xf32>
    %select_n3A = arith.select %gt3A_13, %reshape3A, %concatenate3A_17 : vector<1x4000xi1>, vector<1x4000xf32>
    %broadcast_in_dim3A_18 = arith.constant 1 : i32
    %broadcast_in_dim3A_19 = vector.broadcast %broadcast_in_dim3A_18 : i32 to vector<1x1xi32>
    %slice3A_20 = vector.extract_strided_slice %convert_element_type3A_11 {offsets = [0, 0], sizes = [1, 3999], strides = [1, 1]} : vector<1x4000xi32> to vector<1x3999xi32>
    %concatenate3A_21 = tpu.concatenate %broadcast_in_dim3A_19, %slice3A_20 in 1 : vector<1x1xi32>, vector<1x3999xi32> -> vector<1x4000xi32>
    %max3A = arith.maxsi %convert_element_type3A_11, %concatenate3A_21 : vector<1x4000xi32>
    %gt3A_22 = arith.constant 0 : i32
    %gt3A_23 = vector.broadcast %gt3A_22 : i32 to vector<1x4000xi32>
    %gt3A_24 = arith.cmpi sgt, %max3A, %gt3A_23 : vector<1x4000xi32>
    %broadcast_in_dim3A_25 = arith.constant 0.000000e+00 : f32
    %broadcast_in_dim3A_26 = vector.broadcast %broadcast_in_dim3A_25 : f32 to vector<1x2xf32>
    %slice3A_27 = vector.extract_strided_slice %select_n3A {offsets = [0, 0], sizes = [1, 3998], strides = [1, 1]} : vector<1x4000xf32> to vector<1x3998xf32>
    %concatenate3A_28 = tpu.concatenate %broadcast_in_dim3A_26, %slice3A_27 in 1 : vector<1x2xf32>, vector<1x3998xf32> -> vector<1x4000xf32>
    %select_n3A_29 = arith.select %gt3A_24, %select_n3A, %concatenate3A_28 : vector<1x4000xi1>, vector<1x4000xf32>
    %broadcast_in_dim3A_30 = arith.constant 1 : i32
    %broadcast_in_dim3A_31 = vector.broadcast %broadcast_in_dim3A_30 : i32 to vector<1x2xi32>
    %slice3A_32 = vector.extract_strided_slice %max3A {offsets = [0, 0], sizes = [1, 3998], strides = [1, 1]} : vector<1x4000xi32> to vector<1x3998xi32>
    %concatenate3A_33 = tpu.concatenate %broadcast_in_dim3A_31, %slice3A_32 in 1 : vector<1x2xi32>, vector<1x3998xi32> -> vector<1x4000xi32>
    %max3A_34 = arith.maxsi %max3A, %concatenate3A_33 : vector<1x4000xi32>
    %gt3A_35 = arith.constant 0 : i32
    %gt3A_36 = vector.broadcast %gt3A_35 : i32 to vector<1x4000xi32>
    %gt3A_37 = arith.cmpi sgt, %max3A_34, %gt3A_36 : vector<1x4000xi32>
    %broadcast_in_dim3A_38 = arith.constant 0.000000e+00 : f32
    %broadcast_in_dim3A_39 = vector.broadcast %broadcast_in_dim3A_38 : f32 to vector<1x4xf32>
    %slice3A_40 = vector.extract_strided_slice %select_n3A_29 {offsets = [0, 0], sizes = [1, 3996], strides = [1, 1]} : vector<1x4000xf32> to vector<1x3996xf32>
    %concatenate3A_41 = tpu.concatenate %broadcast_in_dim3A_39, %slice3A_40 in 1 : vector<1x4xf32>, vector<1x3996xf32> -> vector<1x4000xf32>
    %select_n3A_42 = arith.select %gt3A_37, %select_n3A_29, %concatenate3A_41 : vector<1x4000xi1>, vector<1x4000xf32>
    %broadcast_in_dim3A_43 = arith.constant 1 : i32
    %broadcast_in_dim3A_44 = vector.broadcast %broadcast_in_dim3A_43 : i32 to vector<1x4xi32>
    %slice3A_45 = vector.extract_strided_slice %max3A_34 {offsets = [0, 0], sizes = [1, 3996], strides = [1, 1]} : vector<1x4000xi32> to vector<1x3996xi32>
    %concatenate3A_46 = tpu.concatenate %broadcast_in_dim3A_44, %slice3A_45 in 1 : vector<1x4xi32>, vector<1x3996xi32> -> vector<1x4000xi32>
    %max3A_47 = arith.maxsi %max3A_34, %concatenate3A_46 : vector<1x4000xi32>
    %gt3A_48 = arith.constant 0 : i32
    %gt3A_49 = vector.broadcast %gt3A_48 : i32 to vector<1x4000xi32>
    %gt3A_50 = arith.cmpi sgt, %max3A_47, %gt3A_49 : vector<1x4000xi32>
    %broadcast_in_dim3A_51 = arith.constant 0.000000e+00 : f32
    %broadcast_in_dim3A_52 = vector.broadcast %broadcast_in_dim3A_51 : f32 to vector<1x8xf32>
    %slice3A_53 = vector.extract_strided_slice %select_n3A_42 {offsets = [0, 0], sizes = [1, 3992], strides = [1, 1]} : vector<1x4000xf32> to vector<1x3992xf32>
    %concatenate3A_54 = tpu.concatenate %broadcast_in_dim3A_52, %slice3A_53 in 1 : vector<1x8xf32>, vector<1x3992xf32> -> vector<1x4000xf32>
    %select_n3A_55 = arith.select %gt3A_50, %select_n3A_42, %concatenate3A_54 : vector<1x4000xi1>, vector<1x4000xf32>
    %broadcast_in_dim3A_56 = arith.constant 1 : i32
    %broadcast_in_dim3A_57 = vector.broadcast %broadcast_in_dim3A_56 : i32 to vector<1x8xi32>
    %slice3A_58 = vector.extract_strided_slice %max3A_47 {offsets = [0, 0], sizes = [1, 3992], strides = [1, 1]} : vector<1x4000xi32> to vector<1x3992xi32>
    %concatenate3A_59 = tpu.concatenate %broadcast_in_dim3A_57, %slice3A_58 in 1 : vector<1x8xi32>, vector<1x3992xi32> -> vector<1x4000xi32>
    %max3A_60 = arith.maxsi %max3A_47, %concatenate3A_59 : vector<1x4000xi32>
    %gt3A_61 = arith.constant 0 : i32
    %gt3A_62 = vector.broadcast %gt3A_61 : i32 to vector<1x4000xi32>
    %gt3A_63 = arith.cmpi sgt, %max3A_60, %gt3A_62 : vector<1x4000xi32>
    %broadcast_in_dim3A_64 = arith.constant 0.000000e+00 : f32
    %broadcast_in_dim3A_65 = vector.broadcast %broadcast_in_dim3A_64 : f32 to vector<1x16xf32>
    %slice3A_66 = vector.extract_strided_slice %select_n3A_55 {offsets = [0, 0], sizes = [1, 3984], strides = [1, 1]} : vector<1x4000xf32> to vector<1x3984xf32>
    %concatenate3A_67 = tpu.concatenate %broadcast_in_dim3A_65, %slice3A_66 in 1 : vector<1x16xf32>, vector<1x3984xf32> -> vector<1x4000xf32>
    %select_n3A_68 = arith.select %gt3A_63, %select_n3A_55, %concatenate3A_67 : vector<1x4000xi1>, vector<1x4000xf32>
    %broadcast_in_dim3A_69 = arith.constant 1 : i32
    %broadcast_in_dim3A_70 = vector.broadcast %broadcast_in_dim3A_69 : i32 to vector<1x16xi32>
    %slice3A_71 = vector.extract_strided_slice %max3A_60 {offsets = [0, 0], sizes = [1, 3984], strides = [1, 1]} : vector<1x4000xi32> to vector<1x3984xi32>
    %concatenate3A_72 = tpu.concatenate %broadcast_in_dim3A_70, %slice3A_71 in 1 : vector<1x16xi32>, vector<1x3984xi32> -> vector<1x4000xi32>
    %max3A_73 = arith.maxsi %max3A_60, %concatenate3A_72 : vector<1x4000xi32>
    %gt3A_74 = arith.constant 0 : i32
    %gt3A_75 = vector.broadcast %gt3A_74 : i32 to vector<1x4000xi32>
    %gt3A_76 = arith.cmpi sgt, %max3A_73, %gt3A_75 : vector<1x4000xi32>
    %broadcast_in_dim3A_77 = arith.constant 0.000000e+00 : f32
    %broadcast_in_dim3A_78 = vector.broadcast %broadcast_in_dim3A_77 : f32 to vector<1x32xf32>
    %slice3A_79 = vector.extract_strided_slice %select_n3A_68 {offsets = [0, 0], sizes = [1, 3968], strides = [1, 1]} : vector<1x4000xf32> to vector<1x3968xf32>
    %concatenate3A_80 = tpu.concatenate %broadcast_in_dim3A_78, %slice3A_79 in 1 : vector<1x32xf32>, vector<1x3968xf32> -> vector<1x4000xf32>
    %select_n3A_81 = arith.select %gt3A_76, %select_n3A_68, %concatenate3A_80 : vector<1x4000xi1>, vector<1x4000xf32>
    %broadcast_in_dim3A_82 = arith.constant 1 : i32
    %broadcast_in_dim3A_83 = vector.broadcast %broadcast_in_dim3A_82 : i32 to vector<1x32xi32>
    %slice3A_84 = vector.extract_strided_slice %max3A_73 {offsets = [0, 0], sizes = [1, 3968], strides = [1, 1]} : vector<1x4000xi32> to vector<1x3968xi32>
    %concatenate3A_85 = tpu.concatenate %broadcast_in_dim3A_83, %slice3A_84 in 1 : vector<1x32xi32>, vector<1x3968xi32> -> vector<1x4000xi32>
    %max3A_86 = arith.maxsi %max3A_73, %concatenate3A_85 : vector<1x4000xi32>
    %gt3A_87 = arith.constant 0 : i32
    %gt3A_88 = vector.broadcast %gt3A_87 : i32 to vector<1x4000xi32>
    %gt3A_89 = arith.cmpi sgt, %max3A_86, %gt3A_88 : vector<1x4000xi32>
    %broadcast_in_dim3A_90 = arith.constant 0.000000e+00 : f32
    %broadcast_in_dim3A_91 = vector.broadcast %broadcast_in_dim3A_90 : f32 to vector<1x64xf32>
    %slice3A_92 = vector.extract_strided_slice %select_n3A_81 {offsets = [0, 0], sizes = [1, 3936], strides = [1, 1]} : vector<1x4000xf32> to vector<1x3936xf32>
    %concatenate3A_93 = tpu.concatenate %broadcast_in_dim3A_91, %slice3A_92 in 1 : vector<1x64xf32>, vector<1x3936xf32> -> vector<1x4000xf32>
    %select_n3A_94 = arith.select %gt3A_89, %select_n3A_81, %concatenate3A_93 : vector<1x4000xi1>, vector<1x4000xf32>
    %broadcast_in_dim3A_95 = arith.constant 1 : i32
    %broadcast_in_dim3A_96 = vector.broadcast %broadcast_in_dim3A_95 : i32 to vector<1x64xi32>
    %slice3A_97 = vector.extract_strided_slice %max3A_86 {offsets = [0, 0], sizes = [1, 3936], strides = [1, 1]} : vector<1x4000xi32> to vector<1x3936xi32>
    %concatenate3A_98 = tpu.concatenate %broadcast_in_dim3A_96, %slice3A_97 in 1 : vector<1x64xi32>, vector<1x3936xi32> -> vector<1x4000xi32>
    %max3A_99 = arith.maxsi %max3A_86, %concatenate3A_98 : vector<1x4000xi32>
    %gt3A_100 = arith.constant 0 : i32
    %gt3A_101 = vector.broadcast %gt3A_100 : i32 to vector<1x4000xi32>
    %gt3A_102 = arith.cmpi sgt, %max3A_99, %gt3A_101 : vector<1x4000xi32>
    %broadcast_in_dim3A_103 = arith.constant 0.000000e+00 : f32
    %broadcast_in_dim3A_104 = vector.broadcast %broadcast_in_dim3A_103 : f32 to vector<1x128xf32>
    %slice3A_105 = vector.extract_strided_slice %select_n3A_94 {offsets = [0, 0], sizes = [1, 3872], strides = [1, 1]} : vector<1x4000xf32> to vector<1x3872xf32>
    %concatenate3A_106 = tpu.concatenate %broadcast_in_dim3A_104, %slice3A_105 in 1 : vector<1x128xf32>, vector<1x3872xf32> -> vector<1x4000xf32>
    %select_n3A_107 = arith.select %gt3A_102, %select_n3A_94, %concatenate3A_106 : vector<1x4000xi1>, vector<1x4000xf32>
    %broadcast_in_dim3A_108 = arith.constant 1 : i32
    %broadcast_in_dim3A_109 = vector.broadcast %broadcast_in_dim3A_108 : i32 to vector<1x128xi32>
    %slice3A_110 = vector.extract_strided_slice %max3A_99 {offsets = [0, 0], sizes = [1, 3872], strides = [1, 1]} : vector<1x4000xi32> to vector<1x3872xi32>
    %concatenate3A_111 = tpu.concatenate %broadcast_in_dim3A_109, %slice3A_110 in 1 : vector<1x128xi32>, vector<1x3872xi32> -> vector<1x4000xi32>
    %max3A_112 = arith.maxsi %max3A_99, %concatenate3A_111 : vector<1x4000xi32>
    %gt3A_113 = arith.constant 0 : i32
    %gt3A_114 = vector.broadcast %gt3A_113 : i32 to vector<1x4000xi32>
    %gt3A_115 = arith.cmpi sgt, %max3A_112, %gt3A_114 : vector<1x4000xi32>
    %broadcast_in_dim3A_116 = arith.constant 0.000000e+00 : f32
    %broadcast_in_dim3A_117 = vector.broadcast %broadcast_in_dim3A_116 : f32 to vector<1x256xf32>
    %slice3A_118 = vector.extract_strided_slice %select_n3A_107 {offsets = [0, 0], sizes = [1, 3744], strides = [1, 1]} : vector<1x4000xf32> to vector<1x3744xf32>
    %concatenate3A_119 = tpu.concatenate %broadcast_in_dim3A_117, %slice3A_118 in 1 : vector<1x256xf32>, vector<1x3744xf32> -> vector<1x4000xf32>
    %select_n3A_120 = arith.select %gt3A_115, %select_n3A_107, %concatenate3A_119 : vector<1x4000xi1>, vector<1x4000xf32>
    %broadcast_in_dim3A_121 = arith.constant 1 : i32
    %broadcast_in_dim3A_122 = vector.broadcast %broadcast_in_dim3A_121 : i32 to vector<1x256xi32>
    %slice3A_123 = vector.extract_strided_slice %max3A_112 {offsets = [0, 0], sizes = [1, 3744], strides = [1, 1]} : vector<1x4000xi32> to vector<1x3744xi32>
    %concatenate3A_124 = tpu.concatenate %broadcast_in_dim3A_122, %slice3A_123 in 1 : vector<1x256xi32>, vector<1x3744xi32> -> vector<1x4000xi32>
    %max3A_125 = arith.maxsi %max3A_112, %concatenate3A_124 : vector<1x4000xi32>
    %gt3A_126 = arith.constant 0 : i32
    %gt3A_127 = vector.broadcast %gt3A_126 : i32 to vector<1x4000xi32>
    %gt3A_128 = arith.cmpi sgt, %max3A_125, %gt3A_127 : vector<1x4000xi32>
    %broadcast_in_dim3A_129 = arith.constant 0.000000e+00 : f32
    %broadcast_in_dim3A_130 = vector.broadcast %broadcast_in_dim3A_129 : f32 to vector<1x512xf32>
    %slice3A_131 = vector.extract_strided_slice %select_n3A_120 {offsets = [0, 0], sizes = [1, 3488], strides = [1, 1]} : vector<1x4000xf32> to vector<1x3488xf32>
    %concatenate3A_132 = tpu.concatenate %broadcast_in_dim3A_130, %slice3A_131 in 1 : vector<1x512xf32>, vector<1x3488xf32> -> vector<1x4000xf32>
    %select_n3A_133 = arith.select %gt3A_128, %select_n3A_120, %concatenate3A_132 : vector<1x4000xi1>, vector<1x4000xf32>
    %broadcast_in_dim3A_134 = arith.constant 1 : i32
    %broadcast_in_dim3A_135 = vector.broadcast %broadcast_in_dim3A_134 : i32 to vector<1x512xi32>
    %slice3A_136 = vector.extract_strided_slice %max3A_125 {offsets = [0, 0], sizes = [1, 3488], strides = [1, 1]} : vector<1x4000xi32> to vector<1x3488xi32>
    %concatenate3A_137 = tpu.concatenate %broadcast_in_dim3A_135, %slice3A_136 in 1 : vector<1x512xi32>, vector<1x3488xi32> -> vector<1x4000xi32>
    %max3A_138 = arith.maxsi %max3A_125, %concatenate3A_137 : vector<1x4000xi32>
    %gt3A_139 = arith.constant 0 : i32
    %gt3A_140 = vector.broadcast %gt3A_139 : i32 to vector<1x4000xi32>
    %gt3A_141 = arith.cmpi sgt, %max3A_138, %gt3A_140 : vector<1x4000xi32>
    %broadcast_in_dim3A_142 = arith.constant 0.000000e+00 : f32
    %broadcast_in_dim3A_143 = vector.broadcast %broadcast_in_dim3A_142 : f32 to vector<1x1024xf32>
    %slice3A_144 = vector.extract_strided_slice %select_n3A_133 {offsets = [0, 0], sizes = [1, 2976], strides = [1, 1]} : vector<1x4000xf32> to vector<1x2976xf32>
    %concatenate3A_145 = tpu.concatenate %broadcast_in_dim3A_143, %slice3A_144 in 1 : vector<1x1024xf32>, vector<1x2976xf32> -> vector<1x4000xf32>
    %select_n3A_146 = arith.select %gt3A_141, %select_n3A_133, %concatenate3A_145 : vector<1x4000xi1>, vector<1x4000xf32>
    %broadcast_in_dim3A_147 = arith.constant 1 : i32
    %broadcast_in_dim3A_148 = vector.broadcast %broadcast_in_dim3A_147 : i32 to vector<1x1024xi32>
    %slice3A_149 = vector.extract_strided_slice %max3A_138 {offsets = [0, 0], sizes = [1, 2976], strides = [1, 1]} : vector<1x4000xi32> to vector<1x2976xi32>
    %concatenate3A_150 = tpu.concatenate %broadcast_in_dim3A_148, %slice3A_149 in 1 : vector<1x1024xi32>, vector<1x2976xi32> -> vector<1x4000xi32>
    %max3A_151 = arith.maxsi %max3A_138, %concatenate3A_150 : vector<1x4000xi32>
    %gt3A_152 = arith.constant 0 : i32
    %gt3A_153 = vector.broadcast %gt3A_152 : i32 to vector<1x4000xi32>
    %gt3A_154 = arith.cmpi sgt, %max3A_151, %gt3A_153 : vector<1x4000xi32>
    %broadcast_in_dim3A_155 = arith.constant 0.000000e+00 : f32
    %broadcast_in_dim3A_156 = vector.broadcast %broadcast_in_dim3A_155 : f32 to vector<1x2048xf32>
    %slice3A_157 = vector.extract_strided_slice %select_n3A_146 {offsets = [0, 0], sizes = [1, 1952], strides = [1, 1]} : vector<1x4000xf32> to vector<1x1952xf32>
    %concatenate3A_158 = tpu.concatenate %broadcast_in_dim3A_156, %slice3A_157 in 1 : vector<1x2048xf32>, vector<1x1952xf32> -> vector<1x4000xf32>
    %select_n3A_159 = arith.select %gt3A_154, %select_n3A_146, %concatenate3A_158 : vector<1x4000xi1>, vector<1x4000xf32>
    %get3A_160 = arith.constant 0 : index
    %get3A_161 = memref.load %arg5[%get3A_160] : memref<1xi32, #tpu.memory_space<smem>>
    %eq3A_162 = vector.broadcast %get3A_161 : i32 to vector<1x4000xi32>
    %eq3A_163 = arith.cmpi eq, %reshape3A_9, %eq3A_162 : vector<1x4000xi32>
    %get3A_164 = arith.constant 0 : index
    %get3A_165 = memref.load %arg6[%get3A_164] : memref<1xf32, #tpu.memory_space<smem>>
    %broadcast_in_dim3A_166 = vector.broadcast %get3A_165 : f32 to vector<1x4000xf32>
    %select_n3A_167 = arith.select %eq3A_163, %broadcast_in_dim3A_166, %select_n3A_159 : vector<1x4000xi1>, vector<1x4000xf32>
    %sub3A = arith.subf %reshape3A, %select_n3A_167 : vector<1x4000xf32>
    %exp3A = math.exp %sub3A : vector<1x4000xf32>
    %gt3A_168 = arith.constant 0 : i32
    %gt3A_169 = vector.broadcast %gt3A_168 : i32 to vector<1x4000xi32>
    %gt3A_170 = arith.cmpi sgt, %convert_element_type3A_11, %gt3A_169 : vector<1x4000xi32>
    %broadcast_in_dim3A_171 = arith.constant 0.000000e+00 : f32
    %broadcast_in_dim3A_172 = vector.broadcast %broadcast_in_dim3A_171 : f32 to vector<1x1xf32>
    %slice3A_173 = vector.extract_strided_slice %exp3A {offsets = [0, 0], sizes = [1, 3999], strides = [1, 1]} : vector<1x4000xf32> to vector<1x3999xf32>
    %concatenate3A_174 = tpu.concatenate %broadcast_in_dim3A_172, %slice3A_173 in 1 : vector<1x1xf32>, vector<1x3999xf32> -> vector<1x4000xf32>
    %jit3A = arith.constant 0.000000e+00 : f32
    %broadcast_in_dim3A_175 = vector.broadcast %jit3A : f32 to vector<1x4000xf32>
    %select_n3A_176 = arith.select %gt3A_170, %broadcast_in_dim3A_175, %concatenate3A_174 : vector<1x4000xi1>, vector<1x4000xf32>
    %add3A = arith.addf %exp3A, %select_n3A_176 : vector<1x4000xf32>
    %broadcast_in_dim3A_177 = arith.constant 1 : i32
    %broadcast_in_dim3A_178 = vector.broadcast %broadcast_in_dim3A_177 : i32 to vector<1x1xi32>
    %slice3A_179 = vector.extract_strided_slice %convert_element_type3A_11 {offsets = [0, 0], sizes = [1, 3999], strides = [1, 1]} : vector<1x4000xi32> to vector<1x3999xi32>
    %concatenate3A_180 = tpu.concatenate %broadcast_in_dim3A_178, %slice3A_179 in 1 : vector<1x1xi32>, vector<1x3999xi32> -> vector<1x4000xi32>
    %max3A_181 = arith.maxsi %convert_element_type3A_11, %concatenate3A_180 : vector<1x4000xi32>
    %gt3A_182 = arith.constant 0 : i32
    %gt3A_183 = vector.broadcast %gt3A_182 : i32 to vector<1x4000xi32>
    %gt3A_184 = arith.cmpi sgt, %max3A_181, %gt3A_183 : vector<1x4000xi32>
    %broadcast_in_dim3A_185 = arith.constant 0.000000e+00 : f32
    %broadcast_in_dim3A_186 = vector.broadcast %broadcast_in_dim3A_185 : f32 to vector<1x2xf32>
    %slice3A_187 = vector.extract_strided_slice %add3A {offsets = [0, 0], sizes = [1, 3998], strides = [1, 1]} : vector<1x4000xf32> to vector<1x3998xf32>
    %concatenate3A_188 = tpu.concatenate %broadcast_in_dim3A_186, %slice3A_187 in 1 : vector<1x2xf32>, vector<1x3998xf32> -> vector<1x4000xf32>
    %jit3A_189 = arith.constant 0.000000e+00 : f32
    %broadcast_in_dim3A_190 = vector.broadcast %jit3A_189 : f32 to vector<1x4000xf32>
    %select_n3A_191 = arith.select %gt3A_184, %broadcast_in_dim3A_190, %concatenate3A_188 : vector<1x4000xi1>, vector<1x4000xf32>
    %add3A_192 = arith.addf %add3A, %select_n3A_191 : vector<1x4000xf32>
    %broadcast_in_dim3A_193 = arith.constant 1 : i32
    %broadcast_in_dim3A_194 = vector.broadcast %broadcast_in_dim3A_193 : i32 to vector<1x2xi32>
    %slice3A_195 = vector.extract_strided_slice %max3A_181 {offsets = [0, 0], sizes = [1, 3998], strides = [1, 1]} : vector<1x4000xi32> to vector<1x3998xi32>
    %concatenate3A_196 = tpu.concatenate %broadcast_in_dim3A_194, %slice3A_195 in 1 : vector<1x2xi32>, vector<1x3998xi32> -> vector<1x4000xi32>
    %max3A_197 = arith.maxsi %max3A_181, %concatenate3A_196 : vector<1x4000xi32>
    %gt3A_198 = arith.constant 0 : i32
    %gt3A_199 = vector.broadcast %gt3A_198 : i32 to vector<1x4000xi32>
    %gt3A_200 = arith.cmpi sgt, %max3A_197, %gt3A_199 : vector<1x4000xi32>
    %broadcast_in_dim3A_201 = arith.constant 0.000000e+00 : f32
    %broadcast_in_dim3A_202 = vector.broadcast %broadcast_in_dim3A_201 : f32 to vector<1x4xf32>
    %slice3A_203 = vector.extract_strided_slice %add3A_192 {offsets = [0, 0], sizes = [1, 3996], strides = [1, 1]} : vector<1x4000xf32> to vector<1x3996xf32>
    %concatenate3A_204 = tpu.concatenate %broadcast_in_dim3A_202, %slice3A_203 in 1 : vector<1x4xf32>, vector<1x3996xf32> -> vector<1x4000xf32>
    %jit3A_205 = arith.constant 0.000000e+00 : f32
    %broadcast_in_dim3A_206 = vector.broadcast %jit3A_205 : f32 to vector<1x4000xf32>
    %select_n3A_207 = arith.select %gt3A_200, %broadcast_in_dim3A_206, %concatenate3A_204 : vector<1x4000xi1>, vector<1x4000xf32>
    %add3A_208 = arith.addf %add3A_192, %select_n3A_207 : vector<1x4000xf32>
    %broadcast_in_dim3A_209 = arith.constant 1 : i32
    %broadcast_in_dim3A_210 = vector.broadcast %broadcast_in_dim3A_209 : i32 to vector<1x4xi32>
    %slice3A_211 = vector.extract_strided_slice %max3A_197 {offsets = [0, 0], sizes = [1, 3996], strides = [1, 1]} : vector<1x4000xi32> to vector<1x3996xi32>
    %concatenate3A_212 = tpu.concatenate %broadcast_in_dim3A_210, %slice3A_211 in 1 : vector<1x4xi32>, vector<1x3996xi32> -> vector<1x4000xi32>
    %max3A_213 = arith.maxsi %max3A_197, %concatenate3A_212 : vector<1x4000xi32>
    %gt3A_214 = arith.constant 0 : i32
    %gt3A_215 = vector.broadcast %gt3A_214 : i32 to vector<1x4000xi32>
    %gt3A_216 = arith.cmpi sgt, %max3A_213, %gt3A_215 : vector<1x4000xi32>
    %broadcast_in_dim3A_217 = arith.constant 0.000000e+00 : f32
    %broadcast_in_dim3A_218 = vector.broadcast %broadcast_in_dim3A_217 : f32 to vector<1x8xf32>
    %slice3A_219 = vector.extract_strided_slice %add3A_208 {offsets = [0, 0], sizes = [1, 3992], strides = [1, 1]} : vector<1x4000xf32> to vector<1x3992xf32>
    %concatenate3A_220 = tpu.concatenate %broadcast_in_dim3A_218, %slice3A_219 in 1 : vector<1x8xf32>, vector<1x3992xf32> -> vector<1x4000xf32>
    %jit3A_221 = arith.constant 0.000000e+00 : f32
    %broadcast_in_dim3A_222 = vector.broadcast %jit3A_221 : f32 to vector<1x4000xf32>
    %select_n3A_223 = arith.select %gt3A_216, %broadcast_in_dim3A_222, %concatenate3A_220 : vector<1x4000xi1>, vector<1x4000xf32>
    %add3A_224 = arith.addf %add3A_208, %select_n3A_223 : vector<1x4000xf32>
    %broadcast_in_dim3A_225 = arith.constant 1 : i32
    %broadcast_in_dim3A_226 = vector.broadcast %broadcast_in_dim3A_225 : i32 to vector<1x8xi32>
    %slice3A_227 = vector.extract_strided_slice %max3A_213 {offsets = [0, 0], sizes = [1, 3992], strides = [1, 1]} : vector<1x4000xi32> to vector<1x3992xi32>
    %concatenate3A_228 = tpu.concatenate %broadcast_in_dim3A_226, %slice3A_227 in 1 : vector<1x8xi32>, vector<1x3992xi32> -> vector<1x4000xi32>
    %max3A_229 = arith.maxsi %max3A_213, %concatenate3A_228 : vector<1x4000xi32>
    %gt3A_230 = arith.constant 0 : i32
    %gt3A_231 = vector.broadcast %gt3A_230 : i32 to vector<1x4000xi32>
    %gt3A_232 = arith.cmpi sgt, %max3A_229, %gt3A_231 : vector<1x4000xi32>
    %broadcast_in_dim3A_233 = arith.constant 0.000000e+00 : f32
    %broadcast_in_dim3A_234 = vector.broadcast %broadcast_in_dim3A_233 : f32 to vector<1x16xf32>
    %slice3A_235 = vector.extract_strided_slice %add3A_224 {offsets = [0, 0], sizes = [1, 3984], strides = [1, 1]} : vector<1x4000xf32> to vector<1x3984xf32>
    %concatenate3A_236 = tpu.concatenate %broadcast_in_dim3A_234, %slice3A_235 in 1 : vector<1x16xf32>, vector<1x3984xf32> -> vector<1x4000xf32>
    %jit3A_237 = arith.constant 0.000000e+00 : f32
    %broadcast_in_dim3A_238 = vector.broadcast %jit3A_237 : f32 to vector<1x4000xf32>
    %select_n3A_239 = arith.select %gt3A_232, %broadcast_in_dim3A_238, %concatenate3A_236 : vector<1x4000xi1>, vector<1x4000xf32>
    %add3A_240 = arith.addf %add3A_224, %select_n3A_239 : vector<1x4000xf32>
    %broadcast_in_dim3A_241 = arith.constant 1 : i32
    %broadcast_in_dim3A_242 = vector.broadcast %broadcast_in_dim3A_241 : i32 to vector<1x16xi32>
    %slice3A_243 = vector.extract_strided_slice %max3A_229 {offsets = [0, 0], sizes = [1, 3984], strides = [1, 1]} : vector<1x4000xi32> to vector<1x3984xi32>
    %concatenate3A_244 = tpu.concatenate %broadcast_in_dim3A_242, %slice3A_243 in 1 : vector<1x16xi32>, vector<1x3984xi32> -> vector<1x4000xi32>
    %max3A_245 = arith.maxsi %max3A_229, %concatenate3A_244 : vector<1x4000xi32>
    %gt3A_246 = arith.constant 0 : i32
    %gt3A_247 = vector.broadcast %gt3A_246 : i32 to vector<1x4000xi32>
    %gt3A_248 = arith.cmpi sgt, %max3A_245, %gt3A_247 : vector<1x4000xi32>
    %broadcast_in_dim3A_249 = arith.constant 0.000000e+00 : f32
    %broadcast_in_dim3A_250 = vector.broadcast %broadcast_in_dim3A_249 : f32 to vector<1x32xf32>
    %slice3A_251 = vector.extract_strided_slice %add3A_240 {offsets = [0, 0], sizes = [1, 3968], strides = [1, 1]} : vector<1x4000xf32> to vector<1x3968xf32>
    %concatenate3A_252 = tpu.concatenate %broadcast_in_dim3A_250, %slice3A_251 in 1 : vector<1x32xf32>, vector<1x3968xf32> -> vector<1x4000xf32>
    %jit3A_253 = arith.constant 0.000000e+00 : f32
    %broadcast_in_dim3A_254 = vector.broadcast %jit3A_253 : f32 to vector<1x4000xf32>
    %select_n3A_255 = arith.select %gt3A_248, %broadcast_in_dim3A_254, %concatenate3A_252 : vector<1x4000xi1>, vector<1x4000xf32>
    %add3A_256 = arith.addf %add3A_240, %select_n3A_255 : vector<1x4000xf32>
    %broadcast_in_dim3A_257 = arith.constant 1 : i32
    %broadcast_in_dim3A_258 = vector.broadcast %broadcast_in_dim3A_257 : i32 to vector<1x32xi32>
    %slice3A_259 = vector.extract_strided_slice %max3A_245 {offsets = [0, 0], sizes = [1, 3968], strides = [1, 1]} : vector<1x4000xi32> to vector<1x3968xi32>
    %concatenate3A_260 = tpu.concatenate %broadcast_in_dim3A_258, %slice3A_259 in 1 : vector<1x32xi32>, vector<1x3968xi32> -> vector<1x4000xi32>
    %max3A_261 = arith.maxsi %max3A_245, %concatenate3A_260 : vector<1x4000xi32>
    %gt3A_262 = arith.constant 0 : i32
    %gt3A_263 = vector.broadcast %gt3A_262 : i32 to vector<1x4000xi32>
    %gt3A_264 = arith.cmpi sgt, %max3A_261, %gt3A_263 : vector<1x4000xi32>
    %broadcast_in_dim3A_265 = arith.constant 0.000000e+00 : f32
    %broadcast_in_dim3A_266 = vector.broadcast %broadcast_in_dim3A_265 : f32 to vector<1x64xf32>
    %slice3A_267 = vector.extract_strided_slice %add3A_256 {offsets = [0, 0], sizes = [1, 3936], strides = [1, 1]} : vector<1x4000xf32> to vector<1x3936xf32>
    %concatenate3A_268 = tpu.concatenate %broadcast_in_dim3A_266, %slice3A_267 in 1 : vector<1x64xf32>, vector<1x3936xf32> -> vector<1x4000xf32>
    %jit3A_269 = arith.constant 0.000000e+00 : f32
    %broadcast_in_dim3A_270 = vector.broadcast %jit3A_269 : f32 to vector<1x4000xf32>
    %select_n3A_271 = arith.select %gt3A_264, %broadcast_in_dim3A_270, %concatenate3A_268 : vector<1x4000xi1>, vector<1x4000xf32>
    %add3A_272 = arith.addf %add3A_256, %select_n3A_271 : vector<1x4000xf32>
    %broadcast_in_dim3A_273 = arith.constant 1 : i32
    %broadcast_in_dim3A_274 = vector.broadcast %broadcast_in_dim3A_273 : i32 to vector<1x64xi32>
    %slice3A_275 = vector.extract_strided_slice %max3A_261 {offsets = [0, 0], sizes = [1, 3936], strides = [1, 1]} : vector<1x4000xi32> to vector<1x3936xi32>
    %concatenate3A_276 = tpu.concatenate %broadcast_in_dim3A_274, %slice3A_275 in 1 : vector<1x64xi32>, vector<1x3936xi32> -> vector<1x4000xi32>
    %max3A_277 = arith.maxsi %max3A_261, %concatenate3A_276 : vector<1x4000xi32>
    %gt3A_278 = arith.constant 0 : i32
    %gt3A_279 = vector.broadcast %gt3A_278 : i32 to vector<1x4000xi32>
    %gt3A_280 = arith.cmpi sgt, %max3A_277, %gt3A_279 : vector<1x4000xi32>
    %broadcast_in_dim3A_281 = arith.constant 0.000000e+00 : f32
    %broadcast_in_dim3A_282 = vector.broadcast %broadcast_in_dim3A_281 : f32 to vector<1x128xf32>
    %slice3A_283 = vector.extract_strided_slice %add3A_272 {offsets = [0, 0], sizes = [1, 3872], strides = [1, 1]} : vector<1x4000xf32> to vector<1x3872xf32>
    %concatenate3A_284 = tpu.concatenate %broadcast_in_dim3A_282, %slice3A_283 in 1 : vector<1x128xf32>, vector<1x3872xf32> -> vector<1x4000xf32>
    %jit3A_285 = arith.constant 0.000000e+00 : f32
    %broadcast_in_dim3A_286 = vector.broadcast %jit3A_285 : f32 to vector<1x4000xf32>
    %select_n3A_287 = arith.select %gt3A_280, %broadcast_in_dim3A_286, %concatenate3A_284 : vector<1x4000xi1>, vector<1x4000xf32>
    %add3A_288 = arith.addf %add3A_272, %select_n3A_287 : vector<1x4000xf32>
    %broadcast_in_dim3A_289 = arith.constant 1 : i32
    %broadcast_in_dim3A_290 = vector.broadcast %broadcast_in_dim3A_289 : i32 to vector<1x128xi32>
    %slice3A_291 = vector.extract_strided_slice %max3A_277 {offsets = [0, 0], sizes = [1, 3872], strides = [1, 1]} : vector<1x4000xi32> to vector<1x3872xi32>
    %concatenate3A_292 = tpu.concatenate %broadcast_in_dim3A_290, %slice3A_291 in 1 : vector<1x128xi32>, vector<1x3872xi32> -> vector<1x4000xi32>
    %max3A_293 = arith.maxsi %max3A_277, %concatenate3A_292 : vector<1x4000xi32>
    %gt3A_294 = arith.constant 0 : i32
    %gt3A_295 = vector.broadcast %gt3A_294 : i32 to vector<1x4000xi32>
    %gt3A_296 = arith.cmpi sgt, %max3A_293, %gt3A_295 : vector<1x4000xi32>
    %broadcast_in_dim3A_297 = arith.constant 0.000000e+00 : f32
    %broadcast_in_dim3A_298 = vector.broadcast %broadcast_in_dim3A_297 : f32 to vector<1x256xf32>
    %slice3A_299 = vector.extract_strided_slice %add3A_288 {offsets = [0, 0], sizes = [1, 3744], strides = [1, 1]} : vector<1x4000xf32> to vector<1x3744xf32>
    %concatenate3A_300 = tpu.concatenate %broadcast_in_dim3A_298, %slice3A_299 in 1 : vector<1x256xf32>, vector<1x3744xf32> -> vector<1x4000xf32>
    %jit3A_301 = arith.constant 0.000000e+00 : f32
    %broadcast_in_dim3A_302 = vector.broadcast %jit3A_301 : f32 to vector<1x4000xf32>
    %select_n3A_303 = arith.select %gt3A_296, %broadcast_in_dim3A_302, %concatenate3A_300 : vector<1x4000xi1>, vector<1x4000xf32>
    %add3A_304 = arith.addf %add3A_288, %select_n3A_303 : vector<1x4000xf32>
    %broadcast_in_dim3A_305 = arith.constant 1 : i32
    %broadcast_in_dim3A_306 = vector.broadcast %broadcast_in_dim3A_305 : i32 to vector<1x256xi32>
    %slice3A_307 = vector.extract_strided_slice %max3A_293 {offsets = [0, 0], sizes = [1, 3744], strides = [1, 1]} : vector<1x4000xi32> to vector<1x3744xi32>
    %concatenate3A_308 = tpu.concatenate %broadcast_in_dim3A_306, %slice3A_307 in 1 : vector<1x256xi32>, vector<1x3744xi32> -> vector<1x4000xi32>
    %max3A_309 = arith.maxsi %max3A_293, %concatenate3A_308 : vector<1x4000xi32>
    %gt3A_310 = arith.constant 0 : i32
    %gt3A_311 = vector.broadcast %gt3A_310 : i32 to vector<1x4000xi32>
    %gt3A_312 = arith.cmpi sgt, %max3A_309, %gt3A_311 : vector<1x4000xi32>
    %broadcast_in_dim3A_313 = arith.constant 0.000000e+00 : f32
    %broadcast_in_dim3A_314 = vector.broadcast %broadcast_in_dim3A_313 : f32 to vector<1x512xf32>
    %slice3A_315 = vector.extract_strided_slice %add3A_304 {offsets = [0, 0], sizes = [1, 3488], strides = [1, 1]} : vector<1x4000xf32> to vector<1x3488xf32>
    %concatenate3A_316 = tpu.concatenate %broadcast_in_dim3A_314, %slice3A_315 in 1 : vector<1x512xf32>, vector<1x3488xf32> -> vector<1x4000xf32>
    %jit3A_317 = arith.constant 0.000000e+00 : f32
    %broadcast_in_dim3A_318 = vector.broadcast %jit3A_317 : f32 to vector<1x4000xf32>
    %select_n3A_319 = arith.select %gt3A_312, %broadcast_in_dim3A_318, %concatenate3A_316 : vector<1x4000xi1>, vector<1x4000xf32>
    %add3A_320 = arith.addf %add3A_304, %select_n3A_319 : vector<1x4000xf32>
    %broadcast_in_dim3A_321 = arith.constant 1 : i32
    %broadcast_in_dim3A_322 = vector.broadcast %broadcast_in_dim3A_321 : i32 to vector<1x512xi32>
    %slice3A_323 = vector.extract_strided_slice %max3A_309 {offsets = [0, 0], sizes = [1, 3488], strides = [1, 1]} : vector<1x4000xi32> to vector<1x3488xi32>
    %concatenate3A_324 = tpu.concatenate %broadcast_in_dim3A_322, %slice3A_323 in 1 : vector<1x512xi32>, vector<1x3488xi32> -> vector<1x4000xi32>
    %max3A_325 = arith.maxsi %max3A_309, %concatenate3A_324 : vector<1x4000xi32>
    %gt3A_326 = arith.constant 0 : i32
    %gt3A_327 = vector.broadcast %gt3A_326 : i32 to vector<1x4000xi32>
    %gt3A_328 = arith.cmpi sgt, %max3A_325, %gt3A_327 : vector<1x4000xi32>
    %broadcast_in_dim3A_329 = arith.constant 0.000000e+00 : f32
    %broadcast_in_dim3A_330 = vector.broadcast %broadcast_in_dim3A_329 : f32 to vector<1x1024xf32>
    %slice3A_331 = vector.extract_strided_slice %add3A_320 {offsets = [0, 0], sizes = [1, 2976], strides = [1, 1]} : vector<1x4000xf32> to vector<1x2976xf32>
    %concatenate3A_332 = tpu.concatenate %broadcast_in_dim3A_330, %slice3A_331 in 1 : vector<1x1024xf32>, vector<1x2976xf32> -> vector<1x4000xf32>
    %jit3A_333 = arith.constant 0.000000e+00 : f32
    %broadcast_in_dim3A_334 = vector.broadcast %jit3A_333 : f32 to vector<1x4000xf32>
    %select_n3A_335 = arith.select %gt3A_328, %broadcast_in_dim3A_334, %concatenate3A_332 : vector<1x4000xi1>, vector<1x4000xf32>
    %add3A_336 = arith.addf %add3A_320, %select_n3A_335 : vector<1x4000xf32>
    %broadcast_in_dim3A_337 = arith.constant 1 : i32
    %broadcast_in_dim3A_338 = vector.broadcast %broadcast_in_dim3A_337 : i32 to vector<1x1024xi32>
    %slice3A_339 = vector.extract_strided_slice %max3A_325 {offsets = [0, 0], sizes = [1, 2976], strides = [1, 1]} : vector<1x4000xi32> to vector<1x2976xi32>
    %concatenate3A_340 = tpu.concatenate %broadcast_in_dim3A_338, %slice3A_339 in 1 : vector<1x1024xi32>, vector<1x2976xi32> -> vector<1x4000xi32>
    %max3A_341 = arith.maxsi %max3A_325, %concatenate3A_340 : vector<1x4000xi32>
    %gt3A_342 = arith.constant 0 : i32
    %gt3A_343 = vector.broadcast %gt3A_342 : i32 to vector<1x4000xi32>
    %gt3A_344 = arith.cmpi sgt, %max3A_341, %gt3A_343 : vector<1x4000xi32>
    %broadcast_in_dim3A_345 = arith.constant 0.000000e+00 : f32
    %broadcast_in_dim3A_346 = vector.broadcast %broadcast_in_dim3A_345 : f32 to vector<1x2048xf32>
    %slice3A_347 = vector.extract_strided_slice %add3A_336 {offsets = [0, 0], sizes = [1, 1952], strides = [1, 1]} : vector<1x4000xf32> to vector<1x1952xf32>
    %concatenate3A_348 = tpu.concatenate %broadcast_in_dim3A_346, %slice3A_347 in 1 : vector<1x2048xf32>, vector<1x1952xf32> -> vector<1x4000xf32>
    %jit3A_349 = arith.constant 0.000000e+00 : f32
    %broadcast_in_dim3A_350 = vector.broadcast %jit3A_349 : f32 to vector<1x4000xf32>
    %select_n3A_351 = arith.select %gt3A_344, %broadcast_in_dim3A_350, %concatenate3A_348 : vector<1x4000xi1>, vector<1x4000xf32>
    %add3A_352 = arith.addf %add3A_336, %select_n3A_351 : vector<1x4000xf32>
    %get3A_353 = arith.constant 0 : index
    %get3A_354 = memref.load %arg7[%get3A_353] : memref<1xf32, #tpu.memory_space<smem>>
    %jit3A_355 = arith.constant 0.000000e+00 : f32
    %broadcast_in_dim3A_356 = vector.broadcast %get3A_354 : f32 to vector<1x4000xf32>
    %broadcast_in_dim3A_357 = vector.broadcast %jit3A_355 : f32 to vector<1x4000xf32>
    %select_n3A_358 = arith.select %eq3A_163, %broadcast_in_dim3A_356, %broadcast_in_dim3A_357 : vector<1x4000xi1>, vector<1x4000xf32>
    %add3A_359 = arith.addf %add3A_352, %select_n3A_358 : vector<1x4000xf32>
    %reshape3A_360 = vector.shape_cast %exp3A : vector<1x4000xf32> to vector<1x1x4000xf32>
    %swap3A = arith.constant 0 : index
    %swap3A_361 = arith.constant 0 : index
    %swap3A_362 = arith.constant 0 : index
    %swap3A_363 = vector.load %arg3[%swap3A, %swap3A_361, %swap3A_362] : memref<1x1x4000xf32, #tpu.memory_space<vmem>>, vector<1x1x4000xf32>
    tpu.vector_store %arg3[%swap3A, %swap3A_361, %swap3A_362], %reshape3A_360 {strides = array<i32>} : memref<1x1x4000xf32, #tpu.memory_space<vmem>>, vector<1x1x4000xf32>,
    %reshape3A_364 = vector.shape_cast %add3A_359 : vector<1x4000xf32> to vector<1x1x4000xf32>
    %swap3A_365 = arith.constant 0 : index
    %swap3A_366 = arith.constant 0 : index
    %swap3A_367 = arith.constant 0 : index
    %swap3A_368 = vector.load %arg4[%swap3A_365, %swap3A_366, %swap3A_367] : memref<1x1x4000xf32, #tpu.memory_space<vmem>>, vector<1x1x4000xf32>
    tpu.vector_store %arg4[%swap3A_365, %swap3A_366, %swap3A_367], %reshape3A_364 {strides = array<i32>} : memref<1x1x4000xf32, #tpu.memory_space<vmem>>, vector<1x1x4000xf32>,
    %iota3A = tpu.iota {dimensions = array<i32: 1>} : vector<1x4000xi32>
    %eq3A_369 = arith.constant 3999 : i32
    %eq3A_370 = vector.broadcast %eq3A_369 : i32 to vector<1x4000xi32>
    %eq3A_371 = arith.cmpi eq, %iota3A, %eq3A_370 : vector<1x4000xi32>
    %broadcast_in_dim3A_372 = arith.constant 0 : i32
    %broadcast_in_dim3A_373 = vector.broadcast %broadcast_in_dim3A_372 : i32 to vector<1x4000xi32>
    %select_n3A_374 = arith.select %eq3A_371, %reshape3A_9, %broadcast_in_dim3A_373 : vector<1x4000xi1>, vector<1x4000xi32>
    %reduce_sum3A = vector.shape_cast %select_n3A_374 : vector<1x4000xi32> to vector<1x1x4000xi32>
    %reduce_sum3A_375 = arith.constant dense<0> : vector<1xi32>
    %reduce_sum3A_376 = vector.multi_reduction <add>, %reduce_sum3A, %reduce_sum3A_375 [1, 2] : vector<1x1x4000xi32> to vector<1xi32>
    %reduce_sum3A_377 = vector.shape_cast %reduce_sum3A_376 : vector<1xi32> to vector<1x1x1xi32>
    %reduce_sum3A_378 = vector.extract %reduce_sum3A_377[0, 0, 0] : i32 from vector<1x1x1xi32>
    %swap3A_379 = arith.constant 0 : index
    %swap3A_380 = memref.load %arg5[%swap3A_379] : memref<1xi32, #tpu.memory_space<smem>>
    memref.store %reduce_sum3A_378, %arg5[%swap3A_379] : memref<1xi32, #tpu.memory_space<smem>>
    %iota3A_381 = tpu.iota {dimensions = array<i32: 1>} : vector<1x4000xi32>
    %eq3A_382 = arith.constant 3999 : i32
    %eq3A_383 = vector.broadcast %eq3A_382 : i32 to vector<1x4000xi32>
    %eq3A_384 = arith.cmpi eq, %iota3A_381, %eq3A_383 : vector<1x4000xi32>
    %broadcast_in_dim3A_385 = arith.constant 0.000000e+00 : f32
    %broadcast_in_dim3A_386 = vector.broadcast %broadcast_in_dim3A_385 : f32 to vector<1x4000xf32>
    %select_n3A_387 = arith.select %eq3A_384, %select_n3A_167, %broadcast_in_dim3A_386 : vector<1x4000xi1>, vector<1x4000xf32>
    %reduce_sum3A_388 = vector.shape_cast %select_n3A_387 : vector<1x4000xf32> to vector<1x1x4000xf32>
    %reduce_sum3A_389 = arith.constant dense<0.000000e+00> : vector<1xf32>
    %reduce_sum3A_390 = vector.multi_reduction <add>, %reduce_sum3A_388, %reduce_sum3A_389 [1, 2] : vector<1x1x4000xf32> to vector<1xf32>
    %reduce_sum3A_391 = vector.shape_cast %reduce_sum3A_390 : vector<1xf32> to vector<1x1x1xf32>
    %reduce_sum3A_392 = vector.extract %reduce_sum3A_391[0, 0, 0] : f32 from vector<1x1x1xf32>
    %swap3A_393 = arith.constant 0 : index
    %swap3A_394 = memref.load %arg6[%swap3A_393] : memref<1xf32, #tpu.memory_space<smem>>
    memref.store %reduce_sum3A_392, %arg6[%swap3A_393] : memref<1xf32, #tpu.memory_space<smem>>
    %iota3A_395 = tpu.iota {dimensions = array<i32: 1>} : vector<1x4000xi32>
    %eq3A_396 = arith.constant 3999 : i32
    %eq3A_397 = vector.broadcast %eq3A_396 : i32 to vector<1x4000xi32>
    %eq3A_398 = arith.cmpi eq, %iota3A_395, %eq3A_397 : vector<1x4000xi32>
    %broadcast_in_dim3A_399 = arith.constant 0.000000e+00 : f32
    %broadcast_in_dim3A_400 = vector.broadcast %broadcast_in_dim3A_399 : f32 to vector<1x4000xf32>
    %select_n3A_401 = arith.select %eq3A_398, %add3A_359, %broadcast_in_dim3A_400 : vector<1x4000xi1>, vector<1x4000xf32>
    %reduce_sum3A_402 = vector.shape_cast %select_n3A_401 : vector<1x4000xf32> to vector<1x1x4000xf32>
    %reduce_sum3A_403 = arith.constant dense<0.000000e+00> : vector<1xf32>
    %reduce_sum3A_404 = vector.multi_reduction <add>, %reduce_sum3A_402, %reduce_sum3A_403 [1, 2] : vector<1x1x4000xf32> to vector<1xf32>
    %reduce_sum3A_405 = vector.shape_cast %reduce_sum3A_404 : vector<1xf32> to vector<1x1x1xf32>
    %reduce_sum3A_406 = vector.extract %reduce_sum3A_405[0, 0, 0] : f32 from vector<1x1x1xf32>
    %swap3A_407 = arith.constant 0 : index
    %swap3A_408 = memref.load %arg7[%swap3A_407] : memref<1xf32, #tpu.memory_space<smem>>
    memref.store %reduce_sum3A_406, %arg7[%swap3A_407] : memref<1xf32, #tpu.memory_space<smem>>
    return
  }
  func.func @transform_0(%arg0: i32) -> (i32, i32, i32) {
    %c0_i32 = arith.constant 0 : i32
    %c0_i32_0 = arith.constant 0 : i32
    %c0_i32_1 = arith.constant 0 : i32
    return %arg0, %c0_i32, %c0_i32_0 : i32, i32, i32
  }
  func.func @transform_1(%arg0: i32) -> (i32, i32, i32) {
    %c0_i32 = arith.constant 0 : i32
    %c0_i32_0 = arith.constant 0 : i32
    %c0_i32_1 = arith.constant 0 : i32
    return %arg0, %c0_i32, %c0_i32_0 : i32, i32, i32
  }
  func.func @transform_2(%arg0: i32) -> (i32, i32, i32) {
    %c0_i32 = arith.constant 0 : i32
    %c0_i32_0 = arith.constant 0 : i32
    %c0_i32_1 = arith.constant 0 : i32
    return %arg0, %c0_i32, %c0_i32_0 : i32, i32, i32
  }
  func.func @transform_3(%arg0: i32) -> (i32, i32, i32) {
    %c0_i32 = arith.constant 0 : i32
    %c0_i32_0 = arith.constant 0 : i32
    %c0_i32_1 = arith.constant 0 : i32
    return %arg0, %c0_i32, %c0_i32_0 : i32, i32, i32
  }
}

module attributes {stable_mosaic.version = 14 : i64} {
  func.func @_bwd_body(%arg0: i32, %arg1: memref<1x1x4000xf32, #tpu.memory_space<vmem>>, %arg2: memref<1x1x4000xf32, #tpu.memory_space<vmem>>, %arg3: memref<1x1x4000xi32, #tpu.memory_space<vmem>>, %arg4: memref<1x1x4000xf32, #tpu.memory_space<vmem>>, %arg5: memref<1x1x4000xf32, #tpu.memory_space<vmem>>, %arg6: memref<1x1x4000xf32, #tpu.memory_space<vmem>>, %arg7: memref<1xi32, #tpu.memory_space<smem>>, %arg8: memref<1xf32, #tpu.memory_space<smem>>) attributes {dimension_semantics = [#tpu.dimension_semantics<arbitrary>], iteration_bounds = array<i64: 80>, scalar_prefetch = 0 : i64, scratch_operands = 2 : i64, tpu.core_type = #tpu.core_type<tc>, window_params = [{transform_indices = @transform_0, window_bounds = array<i64: 1, 1, 4000>}, {transform_indices = @transform_1, window_bounds = array<i64: 1, 1, 4000>}, {transform_indices = @transform_2, window_bounds = array<i64: 1, 1, 4000>}, {transform_indices = @transform_3, window_bounds = array<i64: 1, 1, 4000>}, {transform_indices = @transform_4, window_bounds = array<i64: 1, 1, 4000>}, {transform_indices = @transform_5, window_bounds = array<i64: 1, 1, 4000>}]} {
    %eq3A = arith.constant 0 : i32
    %eq3A_0 = arith.cmpi eq, %arg0, %eq3A : i32
    %convert_element_type3A = arith.extui %eq3A_0 : i1 to i32
    %cond3A = arith.constant 0 : i32
    %cond3A_1 = arith.cmpi ne, %convert_element_type3A, %cond3A : i32
    scf.if %cond3A_1 {
      %swap3A_215 = arith.constant -1 : i32
      %swap3A_216 = arith.constant 0 : index
      %swap3A_217 = memref.load %arg7[%swap3A_216] : memref<1xi32, #tpu.memory_space<smem>>
      memref.store %swap3A_215, %arg7[%swap3A_216] : memref<1xi32, #tpu.memory_space<smem>>
      %swap3A_218 = arith.constant 0.000000e+00 : f32
      %swap3A_219 = arith.constant 0 : index
      %swap3A_220 = memref.load %arg8[%swap3A_219] : memref<1xf32, #tpu.memory_space<smem>>
      memref.store %swap3A_218, %arg8[%swap3A_219] : memref<1xf32, #tpu.memory_space<smem>>
    } else {
    }
    %get3A = arith.constant 0 : index
    %get3A_2 = arith.constant 0 : index
    %get3A_3 = arith.constant 0 : index
    %get3A_4 = vector.load %arg1[%get3A, %get3A_2, %get3A_3] : memref<1x1x4000xf32, #tpu.memory_space<vmem>>, vector<1x1x4000xf32>
    %reshape3A = vector.shape_cast %get3A_4 : vector<1x1x4000xf32> to vector<1x4000xf32>
    %get3A_5 = arith.constant 0 : index
    %get3A_6 = arith.constant 0 : index
    %get3A_7 = arith.constant 0 : index
    %get3A_8 = vector.load %arg2[%get3A_5, %get3A_6, %get3A_7] : memref<1x1x4000xf32, #tpu.memory_space<vmem>>, vector<1x1x4000xf32>
    %reshape3A_9 = vector.shape_cast %get3A_8 : vector<1x1x4000xf32> to vector<1x4000xf32>
    %get3A_10 = arith.constant 0 : index
    %get3A_11 = arith.constant 0 : index
    %get3A_12 = arith.constant 0 : index
    %get3A_13 = vector.load %arg3[%get3A_10, %get3A_11, %get3A_12] : memref<1x1x4000xi32, #tpu.memory_space<vmem>>, vector<1x1x4000xi32>
    %reshape3A_14 = vector.shape_cast %get3A_13 : vector<1x1x4000xi32> to vector<1x4000xi32>
    %slice3A = vector.extract_strided_slice %reshape3A_14 {offsets = [0, 1], sizes = [1, 3999], strides = [1, 1]} : vector<1x4000xi32> to vector<1x3999xi32>
    %broadcast_in_dim3A = arith.constant -1 : i32
    %broadcast_in_dim3A_15 = vector.broadcast %broadcast_in_dim3A : i32 to vector<1x1xi32>
    %concatenate3A = tpu.concatenate %slice3A, %broadcast_in_dim3A_15 in 1 : vector<1x3999xi32>, vector<1x1xi32> -> vector<1x4000xi32>
    %ne3A = arith.cmpi ne, %reshape3A_14, %concatenate3A : vector<1x4000xi32>
    %convert_element_type3A_16 = arith.extui %ne3A : vector<1x4000xi1> to vector<1x4000xi32>
    %gt3A = arith.constant 0 : i32
    %gt3A_17 = vector.broadcast %gt3A : i32 to vector<1x4000xi32>
    %gt3A_18 = arith.cmpi sgt, %convert_element_type3A_16, %gt3A_17 : vector<1x4000xi32>
    %slice3A_19 = vector.extract_strided_slice %reshape3A_9 {offsets = [0, 1], sizes = [1, 3999], strides = [1, 1]} : vector<1x4000xf32> to vector<1x3999xf32>
    %broadcast_in_dim3A_20 = arith.constant 0.000000e+00 : f32
    %broadcast_in_dim3A_21 = vector.broadcast %broadcast_in_dim3A_20 : f32 to vector<1x1xf32>
    %concatenate3A_22 = tpu.concatenate %slice3A_19, %broadcast_in_dim3A_21 in 1 : vector<1x3999xf32>, vector<1x1xf32> -> vector<1x4000xf32>
    %select_n3A = arith.select %gt3A_18, %reshape3A_9, %concatenate3A_22 : vector<1x4000xi1>, vector<1x4000xf32>
    %slice3A_23 = vector.extract_strided_slice %convert_element_type3A_16 {offsets = [0, 1], sizes = [1, 3999], strides = [1, 1]} : vector<1x4000xi32> to vector<1x3999xi32>
    %broadcast_in_dim3A_24 = arith.constant 1 : i32
    %broadcast_in_dim3A_25 = vector.broadcast %broadcast_in_dim3A_24 : i32 to vector<1x1xi32>
    %concatenate3A_26 = tpu.concatenate %slice3A_23, %broadcast_in_dim3A_25 in 1 : vector<1x3999xi32>, vector<1x1xi32> -> vector<1x4000xi32>
    %max3A = arith.maxsi %convert_element_type3A_16, %concatenate3A_26 : vector<1x4000xi32>
    %gt3A_27 = arith.constant 0 : i32
    %gt3A_28 = vector.broadcast %gt3A_27 : i32 to vector<1x4000xi32>
    %gt3A_29 = arith.cmpi sgt, %max3A, %gt3A_28 : vector<1x4000xi32>
    %slice3A_30 = vector.extract_strided_slice %select_n3A {offsets = [0, 2], sizes = [1, 3998], strides = [1, 1]} : vector<1x4000xf32> to vector<1x3998xf32>
    %broadcast_in_dim3A_31 = arith.constant 0.000000e+00 : f32
    %broadcast_in_dim3A_32 = vector.broadcast %broadcast_in_dim3A_31 : f32 to vector<1x2xf32>
    %concatenate3A_33 = tpu.concatenate %slice3A_30, %broadcast_in_dim3A_32 in 1 : vector<1x3998xf32>, vector<1x2xf32> -> vector<1x4000xf32>
    %select_n3A_34 = arith.select %gt3A_29, %select_n3A, %concatenate3A_33 : vector<1x4000xi1>, vector<1x4000xf32>
    %slice3A_35 = vector.extract_strided_slice %max3A {offsets = [0, 2], sizes = [1, 3998], strides = [1, 1]} : vector<1x4000xi32> to vector<1x3998xi32>
    %broadcast_in_dim3A_36 = arith.constant 1 : i32
    %broadcast_in_dim3A_37 = vector.broadcast %broadcast_in_dim3A_36 : i32 to vector<1x2xi32>
    %concatenate3A_38 = tpu.concatenate %slice3A_35, %broadcast_in_dim3A_37 in 1 : vector<1x3998xi32>, vector<1x2xi32> -> vector<1x4000xi32>
    %max3A_39 = arith.maxsi %max3A, %concatenate3A_38 : vector<1x4000xi32>
    %gt3A_40 = arith.constant 0 : i32
    %gt3A_41 = vector.broadcast %gt3A_40 : i32 to vector<1x4000xi32>
    %gt3A_42 = arith.cmpi sgt, %max3A_39, %gt3A_41 : vector<1x4000xi32>
    %slice3A_43 = vector.extract_strided_slice %select_n3A_34 {offsets = [0, 4], sizes = [1, 3996], strides = [1, 1]} : vector<1x4000xf32> to vector<1x3996xf32>
    %broadcast_in_dim3A_44 = arith.constant 0.000000e+00 : f32
    %broadcast_in_dim3A_45 = vector.broadcast %broadcast_in_dim3A_44 : f32 to vector<1x4xf32>
    %concatenate3A_46 = tpu.concatenate %slice3A_43, %broadcast_in_dim3A_45 in 1 : vector<1x3996xf32>, vector<1x4xf32> -> vector<1x4000xf32>
    %select_n3A_47 = arith.select %gt3A_42, %select_n3A_34, %concatenate3A_46 : vector<1x4000xi1>, vector<1x4000xf32>
    %slice3A_48 = vector.extract_strided_slice %max3A_39 {offsets = [0, 4], sizes = [1, 3996], strides = [1, 1]} : vector<1x4000xi32> to vector<1x3996xi32>
    %broadcast_in_dim3A_49 = arith.constant 1 : i32
    %broadcast_in_dim3A_50 = vector.broadcast %broadcast_in_dim3A_49 : i32 to vector<1x4xi32>
    %concatenate3A_51 = tpu.concatenate %slice3A_48, %broadcast_in_dim3A_50 in 1 : vector<1x3996xi32>, vector<1x4xi32> -> vector<1x4000xi32>
    %max3A_52 = arith.maxsi %max3A_39, %concatenate3A_51 : vector<1x4000xi32>
    %gt3A_53 = arith.constant 0 : i32
    %gt3A_54 = vector.broadcast %gt3A_53 : i32 to vector<1x4000xi32>
    %gt3A_55 = arith.cmpi sgt, %max3A_52, %gt3A_54 : vector<1x4000xi32>
    %slice3A_56 = vector.extract_strided_slice %select_n3A_47 {offsets = [0, 8], sizes = [1, 3992], strides = [1, 1]} : vector<1x4000xf32> to vector<1x3992xf32>
    %broadcast_in_dim3A_57 = arith.constant 0.000000e+00 : f32
    %broadcast_in_dim3A_58 = vector.broadcast %broadcast_in_dim3A_57 : f32 to vector<1x8xf32>
    %concatenate3A_59 = tpu.concatenate %slice3A_56, %broadcast_in_dim3A_58 in 1 : vector<1x3992xf32>, vector<1x8xf32> -> vector<1x4000xf32>
    %select_n3A_60 = arith.select %gt3A_55, %select_n3A_47, %concatenate3A_59 : vector<1x4000xi1>, vector<1x4000xf32>
    %slice3A_61 = vector.extract_strided_slice %max3A_52 {offsets = [0, 8], sizes = [1, 3992], strides = [1, 1]} : vector<1x4000xi32> to vector<1x3992xi32>
    %broadcast_in_dim3A_62 = arith.constant 1 : i32
    %broadcast_in_dim3A_63 = vector.broadcast %broadcast_in_dim3A_62 : i32 to vector<1x8xi32>
    %concatenate3A_64 = tpu.concatenate %slice3A_61, %broadcast_in_dim3A_63 in 1 : vector<1x3992xi32>, vector<1x8xi32> -> vector<1x4000xi32>
    %max3A_65 = arith.maxsi %max3A_52, %concatenate3A_64 : vector<1x4000xi32>
    %gt3A_66 = arith.constant 0 : i32
    %gt3A_67 = vector.broadcast %gt3A_66 : i32 to vector<1x4000xi32>
    %gt3A_68 = arith.cmpi sgt, %max3A_65, %gt3A_67 : vector<1x4000xi32>
    %slice3A_69 = vector.extract_strided_slice %select_n3A_60 {offsets = [0, 16], sizes = [1, 3984], strides = [1, 1]} : vector<1x4000xf32> to vector<1x3984xf32>
    %broadcast_in_dim3A_70 = arith.constant 0.000000e+00 : f32
    %broadcast_in_dim3A_71 = vector.broadcast %broadcast_in_dim3A_70 : f32 to vector<1x16xf32>
    %concatenate3A_72 = tpu.concatenate %slice3A_69, %broadcast_in_dim3A_71 in 1 : vector<1x3984xf32>, vector<1x16xf32> -> vector<1x4000xf32>
    %select_n3A_73 = arith.select %gt3A_68, %select_n3A_60, %concatenate3A_72 : vector<1x4000xi1>, vector<1x4000xf32>
    %slice3A_74 = vector.extract_strided_slice %max3A_65 {offsets = [0, 16], sizes = [1, 3984], strides = [1, 1]} : vector<1x4000xi32> to vector<1x3984xi32>
    %broadcast_in_dim3A_75 = arith.constant 1 : i32
    %broadcast_in_dim3A_76 = vector.broadcast %broadcast_in_dim3A_75 : i32 to vector<1x16xi32>
    %concatenate3A_77 = tpu.concatenate %slice3A_74, %broadcast_in_dim3A_76 in 1 : vector<1x3984xi32>, vector<1x16xi32> -> vector<1x4000xi32>
    %max3A_78 = arith.maxsi %max3A_65, %concatenate3A_77 : vector<1x4000xi32>
    %gt3A_79 = arith.constant 0 : i32
    %gt3A_80 = vector.broadcast %gt3A_79 : i32 to vector<1x4000xi32>
    %gt3A_81 = arith.cmpi sgt, %max3A_78, %gt3A_80 : vector<1x4000xi32>
    %slice3A_82 = vector.extract_strided_slice %select_n3A_73 {offsets = [0, 32], sizes = [1, 3968], strides = [1, 1]} : vector<1x4000xf32> to vector<1x3968xf32>
    %broadcast_in_dim3A_83 = arith.constant 0.000000e+00 : f32
    %broadcast_in_dim3A_84 = vector.broadcast %broadcast_in_dim3A_83 : f32 to vector<1x32xf32>
    %concatenate3A_85 = tpu.concatenate %slice3A_82, %broadcast_in_dim3A_84 in 1 : vector<1x3968xf32>, vector<1x32xf32> -> vector<1x4000xf32>
    %select_n3A_86 = arith.select %gt3A_81, %select_n3A_73, %concatenate3A_85 : vector<1x4000xi1>, vector<1x4000xf32>
    %slice3A_87 = vector.extract_strided_slice %max3A_78 {offsets = [0, 32], sizes = [1, 3968], strides = [1, 1]} : vector<1x4000xi32> to vector<1x3968xi32>
    %broadcast_in_dim3A_88 = arith.constant 1 : i32
    %broadcast_in_dim3A_89 = vector.broadcast %broadcast_in_dim3A_88 : i32 to vector<1x32xi32>
    %concatenate3A_90 = tpu.concatenate %slice3A_87, %broadcast_in_dim3A_89 in 1 : vector<1x3968xi32>, vector<1x32xi32> -> vector<1x4000xi32>
    %max3A_91 = arith.maxsi %max3A_78, %concatenate3A_90 : vector<1x4000xi32>
    %gt3A_92 = arith.constant 0 : i32
    %gt3A_93 = vector.broadcast %gt3A_92 : i32 to vector<1x4000xi32>
    %gt3A_94 = arith.cmpi sgt, %max3A_91, %gt3A_93 : vector<1x4000xi32>
    %slice3A_95 = vector.extract_strided_slice %select_n3A_86 {offsets = [0, 64], sizes = [1, 3936], strides = [1, 1]} : vector<1x4000xf32> to vector<1x3936xf32>
    %broadcast_in_dim3A_96 = arith.constant 0.000000e+00 : f32
    %broadcast_in_dim3A_97 = vector.broadcast %broadcast_in_dim3A_96 : f32 to vector<1x64xf32>
    %concatenate3A_98 = tpu.concatenate %slice3A_95, %broadcast_in_dim3A_97 in 1 : vector<1x3936xf32>, vector<1x64xf32> -> vector<1x4000xf32>
    %select_n3A_99 = arith.select %gt3A_94, %select_n3A_86, %concatenate3A_98 : vector<1x4000xi1>, vector<1x4000xf32>
    %slice3A_100 = vector.extract_strided_slice %max3A_91 {offsets = [0, 64], sizes = [1, 3936], strides = [1, 1]} : vector<1x4000xi32> to vector<1x3936xi32>
    %broadcast_in_dim3A_101 = arith.constant 1 : i32
    %broadcast_in_dim3A_102 = vector.broadcast %broadcast_in_dim3A_101 : i32 to vector<1x64xi32>
    %concatenate3A_103 = tpu.concatenate %slice3A_100, %broadcast_in_dim3A_102 in 1 : vector<1x3936xi32>, vector<1x64xi32> -> vector<1x4000xi32>
    %max3A_104 = arith.maxsi %max3A_91, %concatenate3A_103 : vector<1x4000xi32>
    %gt3A_105 = arith.constant 0 : i32
    %gt3A_106 = vector.broadcast %gt3A_105 : i32 to vector<1x4000xi32>
    %gt3A_107 = arith.cmpi sgt, %max3A_104, %gt3A_106 : vector<1x4000xi32>
    %slice3A_108 = vector.extract_strided_slice %select_n3A_99 {offsets = [0, 128], sizes = [1, 3872], strides = [1, 1]} : vector<1x4000xf32> to vector<1x3872xf32>
    %broadcast_in_dim3A_109 = arith.constant 0.000000e+00 : f32
    %broadcast_in_dim3A_110 = vector.broadcast %broadcast_in_dim3A_109 : f32 to vector<1x128xf32>
    %concatenate3A_111 = tpu.concatenate %slice3A_108, %broadcast_in_dim3A_110 in 1 : vector<1x3872xf32>, vector<1x128xf32> -> vector<1x4000xf32>
    %select_n3A_112 = arith.select %gt3A_107, %select_n3A_99, %concatenate3A_111 : vector<1x4000xi1>, vector<1x4000xf32>
    %slice3A_113 = vector.extract_strided_slice %max3A_104 {offsets = [0, 128], sizes = [1, 3872], strides = [1, 1]} : vector<1x4000xi32> to vector<1x3872xi32>
    %broadcast_in_dim3A_114 = arith.constant 1 : i32
    %broadcast_in_dim3A_115 = vector.broadcast %broadcast_in_dim3A_114 : i32 to vector<1x128xi32>
    %concatenate3A_116 = tpu.concatenate %slice3A_113, %broadcast_in_dim3A_115 in 1 : vector<1x3872xi32>, vector<1x128xi32> -> vector<1x4000xi32>
    %max3A_117 = arith.maxsi %max3A_104, %concatenate3A_116 : vector<1x4000xi32>
    %gt3A_118 = arith.constant 0 : i32
    %gt3A_119 = vector.broadcast %gt3A_118 : i32 to vector<1x4000xi32>
    %gt3A_120 = arith.cmpi sgt, %max3A_117, %gt3A_119 : vector<1x4000xi32>
    %slice3A_121 = vector.extract_strided_slice %select_n3A_112 {offsets = [0, 256], sizes = [1, 3744], strides = [1, 1]} : vector<1x4000xf32> to vector<1x3744xf32>
    %broadcast_in_dim3A_122 = arith.constant 0.000000e+00 : f32
    %broadcast_in_dim3A_123 = vector.broadcast %broadcast_in_dim3A_122 : f32 to vector<1x256xf32>
    %concatenate3A_124 = tpu.concatenate %slice3A_121, %broadcast_in_dim3A_123 in 1 : vector<1x3744xf32>, vector<1x256xf32> -> vector<1x4000xf32>
    %select_n3A_125 = arith.select %gt3A_120, %select_n3A_112, %concatenate3A_124 : vector<1x4000xi1>, vector<1x4000xf32>
    %slice3A_126 = vector.extract_strided_slice %max3A_117 {offsets = [0, 256], sizes = [1, 3744], strides = [1, 1]} : vector<1x4000xi32> to vector<1x3744xi32>
    %broadcast_in_dim3A_127 = arith.constant 1 : i32
    %broadcast_in_dim3A_128 = vector.broadcast %broadcast_in_dim3A_127 : i32 to vector<1x256xi32>
    %concatenate3A_129 = tpu.concatenate %slice3A_126, %broadcast_in_dim3A_128 in 1 : vector<1x3744xi32>, vector<1x256xi32> -> vector<1x4000xi32>
    %max3A_130 = arith.maxsi %max3A_117, %concatenate3A_129 : vector<1x4000xi32>
    %gt3A_131 = arith.constant 0 : i32
    %gt3A_132 = vector.broadcast %gt3A_131 : i32 to vector<1x4000xi32>
    %gt3A_133 = arith.cmpi sgt, %max3A_130, %gt3A_132 : vector<1x4000xi32>
    %slice3A_134 = vector.extract_strided_slice %select_n3A_125 {offsets = [0, 512], sizes = [1, 3488], strides = [1, 1]} : vector<1x4000xf32> to vector<1x3488xf32>
    %broadcast_in_dim3A_135 = arith.constant 0.000000e+00 : f32
    %broadcast_in_dim3A_136 = vector.broadcast %broadcast_in_dim3A_135 : f32 to vector<1x512xf32>
    %concatenate3A_137 = tpu.concatenate %slice3A_134, %broadcast_in_dim3A_136 in 1 : vector<1x3488xf32>, vector<1x512xf32> -> vector<1x4000xf32>
    %select_n3A_138 = arith.select %gt3A_133, %select_n3A_125, %concatenate3A_137 : vector<1x4000xi1>, vector<1x4000xf32>
    %slice3A_139 = vector.extract_strided_slice %max3A_130 {offsets = [0, 512], sizes = [1, 3488], strides = [1, 1]} : vector<1x4000xi32> to vector<1x3488xi32>
    %broadcast_in_dim3A_140 = arith.constant 1 : i32
    %broadcast_in_dim3A_141 = vector.broadcast %broadcast_in_dim3A_140 : i32 to vector<1x512xi32>
    %concatenate3A_142 = tpu.concatenate %slice3A_139, %broadcast_in_dim3A_141 in 1 : vector<1x3488xi32>, vector<1x512xi32> -> vector<1x4000xi32>
    %max3A_143 = arith.maxsi %max3A_130, %concatenate3A_142 : vector<1x4000xi32>
    %gt3A_144 = arith.constant 0 : i32
    %gt3A_145 = vector.broadcast %gt3A_144 : i32 to vector<1x4000xi32>
    %gt3A_146 = arith.cmpi sgt, %max3A_143, %gt3A_145 : vector<1x4000xi32>
    %slice3A_147 = vector.extract_strided_slice %select_n3A_138 {offsets = [0, 1024], sizes = [1, 2976], strides = [1, 1]} : vector<1x4000xf32> to vector<1x2976xf32>
    %broadcast_in_dim3A_148 = arith.constant 0.000000e+00 : f32
    %broadcast_in_dim3A_149 = vector.broadcast %broadcast_in_dim3A_148 : f32 to vector<1x1024xf32>
    %concatenate3A_150 = tpu.concatenate %slice3A_147, %broadcast_in_dim3A_149 in 1 : vector<1x2976xf32>, vector<1x1024xf32> -> vector<1x4000xf32>
    %select_n3A_151 = arith.select %gt3A_146, %select_n3A_138, %concatenate3A_150 : vector<1x4000xi1>, vector<1x4000xf32>
    %slice3A_152 = vector.extract_strided_slice %max3A_143 {offsets = [0, 1024], sizes = [1, 2976], strides = [1, 1]} : vector<1x4000xi32> to vector<1x2976xi32>
    %broadcast_in_dim3A_153 = arith.constant 1 : i32
    %broadcast_in_dim3A_154 = vector.broadcast %broadcast_in_dim3A_153 : i32 to vector<1x1024xi32>
    %concatenate3A_155 = tpu.concatenate %slice3A_152, %broadcast_in_dim3A_154 in 1 : vector<1x2976xi32>, vector<1x1024xi32> -> vector<1x4000xi32>
    %max3A_156 = arith.maxsi %max3A_143, %concatenate3A_155 : vector<1x4000xi32>
    %gt3A_157 = arith.constant 0 : i32
    %gt3A_158 = vector.broadcast %gt3A_157 : i32 to vector<1x4000xi32>
    %gt3A_159 = arith.cmpi sgt, %max3A_156, %gt3A_158 : vector<1x4000xi32>
    %slice3A_160 = vector.extract_strided_slice %select_n3A_151 {offsets = [0, 2048], sizes = [1, 1952], strides = [1, 1]} : vector<1x4000xf32> to vector<1x1952xf32>
    %broadcast_in_dim3A_161 = arith.constant 0.000000e+00 : f32
    %broadcast_in_dim3A_162 = vector.broadcast %broadcast_in_dim3A_161 : f32 to vector<1x2048xf32>
    %concatenate3A_163 = tpu.concatenate %slice3A_160, %broadcast_in_dim3A_162 in 1 : vector<1x1952xf32>, vector<1x2048xf32> -> vector<1x4000xf32>
    %select_n3A_164 = arith.select %gt3A_159, %select_n3A_151, %concatenate3A_163 : vector<1x4000xi1>, vector<1x4000xf32>
    %get3A_165 = arith.constant 0 : index
    %get3A_166 = memref.load %arg7[%get3A_165] : memref<1xi32, #tpu.memory_space<smem>>
    %eq3A_167 = vector.broadcast %get3A_166 : i32 to vector<1x4000xi32>
    %eq3A_168 = arith.cmpi eq, %reshape3A_14, %eq3A_167 : vector<1x4000xi32>
    %get3A_169 = arith.constant 0 : index
    %get3A_170 = memref.load %arg8[%get3A_169] : memref<1xf32, #tpu.memory_space<smem>>
    %broadcast_in_dim3A_171 = vector.broadcast %get3A_170 : f32 to vector<1x4000xf32>
    %select_n3A_172 = arith.select %eq3A_168, %broadcast_in_dim3A_171, %select_n3A_164 : vector<1x4000xi1>, vector<1x4000xf32>
    %add3A = arith.constant 1.000000e-16 : f32
    %add3A_173 = vector.broadcast %add3A : f32 to vector<1x4000xf32>
    %add3A_174 = arith.addf %select_n3A_172, %add3A_173 : vector<1x4000xf32>
    %div3A = arith.divf %reshape3A, %add3A_174 : vector<1x4000xf32>
    %get3A_175 = arith.constant 0 : index
    %get3A_176 = arith.constant 0 : index
    %get3A_177 = arith.constant 0 : index
    %get3A_178 = vector.load %arg4[%get3A_175, %get3A_176, %get3A_177] : memref<1x1x4000xf32, #tpu.memory_space<vmem>>, vector<1x1x4000xf32>
    %reshape3A_179 = vector.shape_cast %get3A_178 : vector<1x1x4000xf32> to vector<1x4000xf32>
    %mul3A = arith.mulf %div3A, %reshape3A_179 : vector<1x4000xf32>
    %reshape3A_180 = vector.shape_cast %div3A : vector<1x4000xf32> to vector<1x1x4000xf32>
    %swap3A = arith.constant 0 : index
    %swap3A_181 = arith.constant 0 : index
    %swap3A_182 = arith.constant 0 : index
    %swap3A_183 = vector.load %arg5[%swap3A, %swap3A_181, %swap3A_182] : memref<1x1x4000xf32, #tpu.memory_space<vmem>>, vector<1x1x4000xf32>
    tpu.vector_store %arg5[%swap3A, %swap3A_181, %swap3A_182], %reshape3A_180 {strides = array<i32>} : memref<1x1x4000xf32, #tpu.memory_space<vmem>>, vector<1x1x4000xf32>,
    %reshape3A_184 = vector.shape_cast %mul3A : vector<1x4000xf32> to vector<1x1x4000xf32>
    %swap3A_185 = arith.constant 0 : index
    %swap3A_186 = arith.constant 0 : index
    %swap3A_187 = arith.constant 0 : index
    %swap3A_188 = vector.load %arg6[%swap3A_185, %swap3A_186, %swap3A_187] : memref<1x1x4000xf32, #tpu.memory_space<vmem>>, vector<1x1x4000xf32>
    tpu.vector_store %arg6[%swap3A_185, %swap3A_186, %swap3A_187], %reshape3A_184 {strides = array<i32>} : memref<1x1x4000xf32, #tpu.memory_space<vmem>>, vector<1x1x4000xf32>,
    %iota3A = tpu.iota {dimensions = array<i32: 1>} : vector<1x4000xi32>
    %eq3A_189 = arith.constant 0 : i32
    %eq3A_190 = vector.broadcast %eq3A_189 : i32 to vector<1x4000xi32>
    %eq3A_191 = arith.cmpi eq, %iota3A, %eq3A_190 : vector<1x4000xi32>
    %broadcast_in_dim3A_192 = arith.constant 0 : i32
    %broadcast_in_dim3A_193 = vector.broadcast %broadcast_in_dim3A_192 : i32 to vector<1x4000xi32>
    %select_n3A_194 = arith.select %eq3A_191, %reshape3A_14, %broadcast_in_dim3A_193 : vector<1x4000xi1>, vector<1x4000xi32>
    %reduce_sum3A = vector.shape_cast %select_n3A_194 : vector<1x4000xi32> to vector<1x1x4000xi32>
    %reduce_sum3A_195 = arith.constant dense<0> : vector<1xi32>
    %reduce_sum3A_196 = vector.multi_reduction <add>, %reduce_sum3A, %reduce_sum3A_195 [1, 2] : vector<1x1x4000xi32> to vector<1xi32>
    %reduce_sum3A_197 = vector.shape_cast %reduce_sum3A_196 : vector<1xi32> to vector<1x1x1xi32>
    %reduce_sum3A_198 = vector.extract %reduce_sum3A_197[0, 0, 0] : i32 from vector<1x1x1xi32>
    %swap3A_199 = arith.constant 0 : index
    %swap3A_200 = memref.load %arg7[%swap3A_199] : memref<1xi32, #tpu.memory_space<smem>>
    memref.store %reduce_sum3A_198, %arg7[%swap3A_199] : memref<1xi32, #tpu.memory_space<smem>>
    %iota3A_201 = tpu.iota {dimensions = array<i32: 1>} : vector<1x4000xi32>
    %eq3A_202 = arith.constant 0 : i32
    %eq3A_203 = vector.broadcast %eq3A_202 : i32 to vector<1x4000xi32>
    %eq3A_204 = arith.cmpi eq, %iota3A_201, %eq3A_203 : vector<1x4000xi32>
    %broadcast_in_dim3A_205 = arith.constant 0.000000e+00 : f32
    %broadcast_in_dim3A_206 = vector.broadcast %broadcast_in_dim3A_205 : f32 to vector<1x4000xf32>
    %select_n3A_207 = arith.select %eq3A_204, %select_n3A_172, %broadcast_in_dim3A_206 : vector<1x4000xi1>, vector<1x4000xf32>
    %reduce_sum3A_208 = vector.shape_cast %select_n3A_207 : vector<1x4000xf32> to vector<1x1x4000xf32>
    %reduce_sum3A_209 = arith.constant dense<0.000000e+00> : vector<1xf32>
    %reduce_sum3A_210 = vector.multi_reduction <add>, %reduce_sum3A_208, %reduce_sum3A_209 [1, 2] : vector<1x1x4000xf32> to vector<1xf32>
    %reduce_sum3A_211 = vector.shape_cast %reduce_sum3A_210 : vector<1xf32> to vector<1x1x1xf32>
    %reduce_sum3A_212 = vector.extract %reduce_sum3A_211[0, 0, 0] : f32 from vector<1x1x1xf32>
    %swap3A_213 = arith.constant 0 : index
    %swap3A_214 = memref.load %arg8[%swap3A_213] : memref<1xf32, #tpu.memory_space<smem>>
    memref.store %reduce_sum3A_212, %arg8[%swap3A_213] : memref<1xf32, #tpu.memory_space<smem>>
    return
  }
  func.func @transform_0(%arg0: i32) -> (i32, i32, i32) {
    %sub3A = arith.constant 79 : i32
    %sub3A_0 = arith.subi %sub3A, %arg0 : i32
    %c0_i32 = arith.constant 0 : i32
    %c0_i32_1 = arith.constant 0 : i32
    %c0_i32_2 = arith.constant 0 : i32
    return %sub3A_0, %c0_i32, %c0_i32_1 : i32, i32, i32
  }
  func.func @transform_1(%arg0: i32) -> (i32, i32, i32) {
    %sub3A = arith.constant 79 : i32
    %sub3A_0 = arith.subi %sub3A, %arg0 : i32
    %c0_i32 = arith.constant 0 : i32
    %c0_i32_1 = arith.constant 0 : i32
    %c0_i32_2 = arith.constant 0 : i32
    return %sub3A_0, %c0_i32, %c0_i32_1 : i32, i32, i32
  }
  func.func @transform_2(%arg0: i32) -> (i32, i32, i32) {
    %sub3A = arith.constant 79 : i32
    %sub3A_0 = arith.subi %sub3A, %arg0 : i32
    %c0_i32 = arith.constant 0 : i32
    %c0_i32_1 = arith.constant 0 : i32
    %c0_i32_2 = arith.constant 0 : i32
    return %sub3A_0, %c0_i32, %c0_i32_1 : i32, i32, i32
  }
  func.func @transform_3(%arg0: i32) -> (i32, i32, i32) {
    %sub3A = arith.constant 79 : i32
    %sub3A_0 = arith.subi %sub3A, %arg0 : i32
    %c0_i32 = arith.constant 0 : i32
    %c0_i32_1 = arith.constant 0 : i32
    %c0_i32_2 = arith.constant 0 : i32
    return %sub3A_0, %c0_i32, %c0_i32_1 : i32, i32, i32
  }
  func.func @transform_4(%arg0: i32) -> (i32, i32, i32) {
    %sub3A = arith.constant 79 : i32
    %sub3A_0 = arith.subi %sub3A, %arg0 : i32
    %c0_i32 = arith.constant 0 : i32
    %c0_i32_1 = arith.constant 0 : i32
    %c0_i32_2 = arith.constant 0 : i32
    return %sub3A_0, %c0_i32, %c0_i32_1 : i32, i32, i32
  }
  func.func @transform_5(%arg0: i32) -> (i32, i32, i32) {
    %sub3A = arith.constant 79 : i32
    %sub3A_0 = arith.subi %sub3A, %arg0 : i32
    %c0_i32 = arith.constant 0 : i32
    %c0_i32_1 = arith.constant 0 : i32
    %c0_i32_2 = arith.constant 0 : i32
    return %sub3A_0, %c0_i32, %c0_i32_1 : i32, i32, i32
  }
}

</mosaic_0001>

<sc_bundles>
// kernel: scatter_offload_async_start.1
scs
__scs_entry_jumppad:
0x0: {  	(pc) =	sbr.rel $0x88, $3  }
0x1: {  	(tag) =	ssettag $0x0;
	lr =	simm.s32 $0x1  }
0x2: {  	[smem:$0x3F8C] =	sst lr;
	_ =	strace $0xD0000000  }
0x3: {  	_ = 	snop  }
0x4: {  	_ = 	snop  }
0x5: {  	_ = 	snop  }
0x6: {  	_ = 	snop  }
0x7: {  	_ = 	snop  }
__scs_overlays_trampoline_lowered:
0x8: {  	[smem:$0x3F9B] =	sst s0  }
0x9: {  	[smem:$0x3F9C] =	sst s1  }
0xa: {  	[smem:$0x3F9D] =	sst s2  }
0xb: {  	[smem:$0x3F9E] =	sst s3  }
0xc: {  	[smem:$0x3F9F] =	sst s4  }
0xd: {  	[smem:$0x3FA0] =	sst s5  }
0xe: {  	[smem:$0x3FA1] =	sst s6  }
0xf: {  	[smem:$0x3FA2] =	sst s7  }
0x10: {  	[smem:$0x3FA3] =	sst s8  }
0x11: {  	[smem:$0x3FA4] =	sst s9;
	s0 =	simm.s32 @!p0 $0x0  }
0x12: {  	s1 =	sld [smem:$0x3F8A];
	s0 =	simm.s32 @p0 $0x1  }
0x13: {  	[smem:$0x3FA5] =	sst s0;
	s0 =	simm.s32 @!p1 $0x0  }
0x14: {  	s2 =	sld [smem:$0x3F89];
	s0 =	simm.s32 @p1 $0x1  }
0x15: {  	[smem:$0x3FA6] =	sst s0;
	s0 =	simm.s32 @!p2 $0x0  }
0x16: {  	s3 =	sld [smem:$0x3FDB];
	s0 =	simm.s32 @p2 $0x1  }
0x17: {  	s4 =	simm.s32 $0x1BF5;
	[smem:$0x3FA8] =	sst s0  }
0x18: {  	s0 =	sld [smem:$0x3F8B];
	_ =	swait.ge [sflag:s4], $0x0  }
0x19: {  	s7 =	sld [smem:$0x3F8C]  }
0x1a: {  	s8 =	sadd.s32 $0xFFFFE003, lr  }
0x1b: {  	s9 =	sadd.s32 $0xFFFFFEF7, lr;
	s5 =	simm.s32 $0xFFFFFFFF;
	p2 =	slt.u32 s8, $0xFFFFF086  }
0x1c: {  	p1 =	slt.u32 s9, $0xF7A;
	s5 =	simm.s32 @!p2 $0x0  }
0x1d: {  	s5 =	simm.s32 @p1 $0x1;
	p0 =	seq.s32 s7, s2  }
0x1e: {  	s7 =	smul.u32 @!p0 $0xF7A, s2;
	p2 =	seq.s32 @!p0 s5, $0x0  }
0x1f: {  	s9 =	smul.u32 $0xF7A, s1;
	s8 =	simm.s32 @!p0 $0x1BF5;
	p2 =	por !p2, p0  }
0x20: {  	[sflag:s8] =	ssyncset.s32 @!p0 $0xFFFFF086;
	s6 =	sadd.s32 @!p0 s3, s7;
	s7 =	simm.s32 @!p0 $0x108  }
0x21: {  	s3 =	sadd.s32 s3, s9;
	s6 =	sadd.s32 @!p0 $0x88, s6;
	s7 =	simm.s32 @p2 $0x1082  }
0x22: {  	[simem:s7], [sflag:s8] =	dma.local @!p0 [hbm:s6], $0xF7A  }
0x23: {  	s9 =	sor.u32 $0xD0000000, s2;
	s6 =	simm.s32 $0x108;
	_ =	swait.ge @!p0 [sflag:s8], $0x0  }
0x24: {  	s3 =	sadd.s32 $0x88, s3;
	s6 =	simm.s32 @!p1 $0x1082;
	[sflag:s4] =	ssyncset.s32 $0xFFFFF086  }
0x25: {  	[simem:s6], [sflag:s4] =	dma.local [hbm:s3], $0xF7A  }
0x26: {  	[smem:$0x3F8C] =	sst s1;
	(tag) =	ssettag s2;
	_ =	strace s9  }
0x27: {  	s1 =	sld [smem:$0x3F9C]  }
0x28: {  	s2 =	sld [smem:$0x3F9D]  }
0x29: {  	s4 =	sld [smem:$0x3F9F]  }
0x2a: {  	p0 =	seq.s32 s5, $0x0;
	s5 =	sld [smem:$0x3FA0]  }
0x2b: {  	s6 =	sld [smem:$0x3FA1]  }
0x2c: {  	s7 =	sld [smem:$0x3FA2]  }
0x2d: {  	s3 =	simm.s32 $0x108;
	s8 =	sld [smem:$0x3FA3]  }
0x2e: {  	s3 =	simm.s32 @!p0 $0x1082;
	s9 =	sld [smem:$0x3FA4]  }
0x2f: {  	lr =	sadd.s32 s0, s3;
	s0 =	sld [smem:$0x3F9B]  }
0x30: {  	s3 =	sld [smem:$0x3F9E]  }
0x31: {  	[smem:$0x3FA7] =	sst s10  }
0x32: {  	s10 =	sld [smem:$0x3FA5];
	_ =	sdelay $0x3  }
0x33: {  	p0 =	seq.s32 s10, $0x1;
	s10 =	sld [smem:$0x3FA7];
	_ =	sdelay $0x3  }
0x34: {  	[smem:$0x3FA7] =	sst s10  }
0x35: {  	s10 =	sld [smem:$0x3FA6];
	_ =	sdelay $0x3  }
0x36: {  	p1 =	seq.s32 s10, $0x1;
	s10 =	sld [smem:$0x3FA7];
	_ =	sdelay $0x3  }
0x37: {  	[smem:$0x3FA7] =	sst s10  }
0x38: {  	s10 =	sld [smem:$0x3FA8]  }
0x39: {  	_ = 	snop;
	(pc) =	sbr.ind lr, $3  }
0x3a: {  	_ = 	snop  }
0x3b: {  	_ = 	snop  }
0x3c: {  	p2 =	seq.s32 s10, $0x1;
	s10 =	sld [smem:$0x3FA7]  }
0x3d: {  	_ =	shalt  }
0x3e: {  	_ =	shalt  }
0x3f: {  	_ =	shalt  }
0x40: {  	_ =	shalt  }
0x41: {  	_ =	shalt  }
0x42: {  	_ =	shalt  }
0x43: {  	_ =	shalt  }
0x44: {  	_ =	shalt  }
0x45: {  	_ =	shalt  }
0x46: {  	_ =	shalt  }
0x47: {  	_ =	shalt  }
0x48: {  	_ =	shalt  }
0x49: {  	_ =	shalt  }
0x4a: {  	_ =	shalt  }
0x4b: {  	_ =	shalt  }
0x4c: {  	_ =	shalt  }
0x4d: {  	_ =	shalt  }
0x4e: {  	_ =	shalt  }
0x4f: {  	_ =	shalt  }
0x50: {  	_ =	shalt  }
0x51: {  	_ =	shalt  }
0x52: {  	_ =	shalt  }
0x53: {  	_ =	shalt  }
0x54: {  	_ =	shalt  }
0x55: {  	_ =	shalt  }
0x56: {  	_ =	shalt  }
0x57: {  	_ =	shalt  }
0x58: {  	_ =	shalt  }
0x59: {  	_ =	shalt  }
0x5a: {  	_ =	shalt  }
0x5b: {  	_ =	shalt  }
0x5c: {  	_ =	shalt  }
0x5d: {  	_ =	shalt  }
0x5e: {  	_ =	shalt  }
0x5f: {  	_ =	shalt  }
0x60: {  	_ =	shalt  }
0x61: {  	_ =	shalt  }
0x62: {  	_ =	shalt  }
0x63: {  	_ =	shalt  }
0x64: {  	_ =	shalt  }
0x65: {  	_ =	shalt  }
0x66: {  	_ =	shalt  }
0x67: {  	_ =	shalt  }
0x68: {  	_ =	shalt  }
0x69: {  	_ =	shalt  }
0x6a: {  	_ =	shalt  }
0x6b: {  	_ =	shalt  }
0x6c: {  	_ =	shalt  }
0x6d: {  	_ =	shalt  }
0x6e: {  	_ =	shalt  }
0x6f: {  	_ =	shalt  }
0x70: {  	_ =	shalt  }
0x71: {  	_ =	shalt  }
0x72: {  	_ =	shalt  }
0x73: {  	_ =	shalt  }
0x74: {  	_ =	shalt  }
0x75: {  	_ =	shalt  }
0x76: {  	_ =	shalt  }
0x77: {  	_ =	shalt  }
0x78: {  	_ =	shalt  }
0x79: {  	_ =	shalt  }
0x7a: {  	_ =	shalt  }
0x7b: {  	_ =	shalt  }
0x7c: {  	_ =	shalt  }
0x7d: {  	_ =	shalt  }
0x7e: {  	_ =	shalt  }
0x7f: {  	_ =	shalt  }
0x80: {  	_ =	shalt  }
0x81: {  	_ =	shalt  }
0x82: {  	_ =	shalt  }
0x83: {  	_ =	shalt  }
0x84: {  	_ =	shalt  }
0x85: {  	_ =	shalt  }
0x86: {  	_ =	shalt  }
0x87: {  	_ =	shalt  }
.Lfunc_end0:
.L_simem_size_0:
called_computation.1_lowered:
.L_overlay_start_0:
0x88: {  	s2 =	sld [smem:$0x3FD9]  }
0x89: {  	s3 =	sld [smem:$0x3FFE];
	_ =	sdelay $0x1  }
0x8a: {  	s1 =	srdreg.scid  }
0x8b: {  	s0 =	sand.u32 $0x1, s1  }
0x8c: {  	s15 =	sshll.u32 s0, $0xA;
	s2 =	sadd.s32 s3, s2  }
0x8d: {  	s2 =	sadd.s32 s2, s15  }
0x8e: {  	[smem:$0x3FB3] =	sst s2  }
0x8f: {  	_ = 	snop  }
0x90: {  	s2 =	sld [smem:$0x3FD0];
	_ =	sdelay $0x2  }
0x91: {  	s16 =	simm.s32 $0xB;
	s4 =	simm.s32 $0x10  }
0x92: {  	[smem:s4], [sflag:s16] =	dma.local [hbm:s2], $0x1  }
0x93: {  	_ =	swait.eq [sflag:s16], $0x1  }
0x94: {  	[sflag:s16] =	ssyncset.done $0x0  }
0x95: {  	[sflag:s16] =	ssyncadd.s32 $0xFFFFFFFF  }
0x96: {  	s17 =	sld [smem:$0x11];
	(tm) =	ssettm $0x1  }
0x97: {  	s18 =	sld [smem:$0x3FFB];
	_ =	sdelay $0x3  }
0x98: {  	_ =	strace s18  }
0x99: {  	s2 =	sld [smem:$0x3FFC];
	_ =	sdelay $0x3  }
0x9a: {  	_ =	strace s2  }
0x9b: {  	s2 =	sld [smem:$0x3FFD];
	_ =	sdelay $0x3  }
0x9c: {  	_ =	strace s2  }
0x9d: {  	_ =	strace $0x8FFFFFFF  }
0x9e: {  	s19 =	sld [smem:$0x3FDB];
	_ =	sdelay $0x1  }
0x9f: {  	s20 =	simm.s32 $_scs_section_size  }
0xa0: {  	s5 =	simm.s32 $_size__tile_overlayer_lowered;
	s6 =	simm.s32 $_tile_overlayer_lowered  }
0xa1: {  	s7 =	simm.s32 $0x1BFF;
	s21 =	sshll.u32 s6, $0x1;
	s4 =	sadd.s32 s20, s19  }
0xa2: {  	s22 =	simm.s32 $0x0;
	s5 =	sshll.u32 s5, $0x1;
	s6 =	sadd.s32 s21, s4  }
0xa3: {  	[timem:s22], [sflag:s7] =	dma.local [hbm:s6], s5  }
0xa4: {  	_ =	swait.ge [sflag:s7], s5  }
0xa5: {  	s5 =	ssub.s32 $0x0, s5;
	[sflag:s7] =	ssyncset.done $0x0  }
0xa6: {  	[sflag:s7] =	ssyncadd.s32 s5;
	_ =	sdelay $0x1  }
0xa7: {  	s23 =	simm.s32 $0x1B8B  }
0xa8: {  	_ =	swait.ge [sflag:s23], $0x1  }
0xa9: {  	[sflag:s23] =	ssyncset.done $0x0  }
0xaa: {  	[sflag:s23] =	ssyncadd.s32 $0xFFFFFFFF  }
0xab: {  	s5 =	sld [smem:$0x0]  }
0xac: {  	s6 =	sand.u32 $0xFFFFFFFE, s1  }
0xad: {  	p0 =	sne.s32 s1, s6  }
0xae: {  	s6 =	sshll.u32 @p0 s6, $0xE  }
0xaf: {  	s6 =	sadd.s32 @p0 $0x11B8D, s6;
	s7 =	sshll.u32 @p0 s5, $0x11  }
0xb0: {  	s6 =	sor.u32 @p0 s7, s6  }
0xb1: {  	[sflag:s6] =	ssyncadd.remote.s32 @p0 $0x1;
	_ =	sdelay $0x1  }
0xb2: {  	s6 =	simm.s32 @p0 $0x1B8D  }
0xb3: {  	_ =	swait.eq @p0 [sflag:s6], $0x1  }
0xb4: {  	[sflag:s6] =	ssyncadd.s32 @p0 $0xFFFFFFFF  }
0xb5: {  	s7 =	sshll.u32 @!p0 s1, $0xE  }
0xb6: {  	s7 =	sor.u32 @!p0 $0x4000, s7;
	s6 =	simm.s32 @!p0 $0x1B8D  }
0xb7: {  	s8 =	sshll.u32 @!p0 s5, $0x11;
	s7 =	sadd.s32 @!p0 $0x11B8D, s7;
	_ =	swait.eq @!p0 [sflag:s6], $0x1  }
0xb8: {  	[sflag:s6] =	ssyncadd.s32 @!p0 $0xFFFFFFFF;
	s6 =	sor.u32 @!p0 s8, s7  }
0xb9: {  	s25 =	simm.s32 $0x1B8E;
	s24 =	sld [smem:$0x3FFE];
	[sflag:s6] =	ssyncadd.remote.s32 @!p0 $0x1  }
0xba: {  	s26 =	simm.s32 $execute0_lowered;
	[smem:$0x3FD2] =	sst s25  }
0xbb: {  	s7 =	sshll.u32 s26, $0x1;
	_ =	strace $0x80000049;
	[dreg:$0x1] =	wrdreg $0xFFFFFFFF  }
0xbc: {  	s28 =	simm.s32 $_size_execute0_lowered;
	s4 =	sadd.s32 s4, s7;
	[dreg:$0x0] =	wrdreg $0x0  }
0xbd: {  	s7 =	sshll.u32 s28, $0x1;
	[dreg:$0x2] =	wrdreg s4  }
0xbe: {  	[dreg:$0x3] =	wrdreg s7  }
0xbf: {  	[dreg:$0x4] =	wrdreg $0xC0  }
0xc0: {  	_ =	task [dreg:s22], $0x5FFFF  }
0xc1: {  	[dreg:$0x1] =	wrdreg $0xFFFFFFFF  }
0xc2: {  	[dreg:$0x0] =	wrdreg $0x60  }
0xc3: {  	[dreg:$0x2] =	wrdreg s17  }
0xc4: {  	[dreg:$0x3] =	wrdreg s24  }
0xc5: {  	[dreg:$0x4] =	wrdreg s1  }
0xc6: {  	[dreg:$0x5] =	wrdreg s5  }
0xc7: {  	[dreg:$0x6] =	wrdreg $0xA  }
0xc8: {  	_ =	task.clear_ibuf [dreg:s22], $0x7FFFF;
	_ =	strace $0x90000049  }
0xc9: {  	s29 =	simm.s32 $0xA;
	_ =	strace $0x8000004B  }
0xca: {  	_ =	swait.ge [sflag:s29], $0x1  }
0xcb: {  	[sflag:s29] =	ssyncadd.s32 $0xFFFFFFFF  }
0xcc: {  	_ =	strace $0x9000004B  }
0xcd: {  	_ =	sfence  }
0xce: {  	s30 =	sld [smem:$0x0];
	_ =	sdelay $0x2  }
0xcf: {  	s31 =	sshll.u32 s1, $0xD;
	s1 =	sshrl.u32 s1, $0x2  }
0xd0: {  	s4 =	sand.u32 $0x4000, s31;
	s1 =	sadd.s32 s1, s30  }
0xd1: {  	s0 =	sor.u32 s4, s0;
	s1 =	sshll.u32 s1, $0x11  }
0xd2: {  	s0 =	sor.u32 s1, s0  }
0xd3: {  	s0 =	sadd.s32 $0x8F2B, s0  }
0xd4: {  	[sflag:s0] =	ssyncadd.remote.s32 $0x1  }
0xd5: {  	_ =	sfence.sel $0xFFFF  }
0xd6: {  	[dreg:$0x0] =	wrdreg $0xFFFFFFFF;
	(pc) =	sbr.abs _section_cstart, $3  }
0xd7: {  	[dreg:$0x1] =	wrdreg $0xFFFFFFFF  }
0xd8: {  	_ =	task.clear_ibuf [dreg:s22], $0x2FFFF;
	_ =	strace $0x9FFFFFFF  }
0xd9: {  	(tm) =	ssettm $0x7FFFFFFF  }
tec
execute0_lowered:
.L_overlay_start_1:
0x0: {  	(tag) =	ssettag $0x1  }
0x1: {  	s1 =	rddreg [dreg:$0x0]  }
0x2: {  	s2 =	rddreg [dreg:$0x1]  }
0x3: {  	s3 =	rddreg [dreg:$0x2];
	_ =	strace $0x8000004A;
	s0 =	simm.s32 $0x1  }
0x4: {  	v0 =	vimm.s32 $0x0;
	[sflag:s0] =	ssyncpa.u1 $0x0;
	s0 =	simm.s32 $0x108  }
0x5: {  	[tilespmem:s0+$0x70] =	vst v0  }
0x6: {  	[tilespmem:s0+$0x60] =	vst v0  }
0x7: {  	[tilespmem:s0+$0x50] =	vst v0  }
0x8: {  	[tilespmem:s0+$0x40] =	vst v0  }
0x9: {  	[tilespmem:s0+$0x30] =	vst v0  }
0xa: {  	s15 =	sadd.s32 $0x26000, s2;
	s6 =	sadd.s32 $0x27B000, s2;
	[tilespmem:s0+$0x20] =	vst v0  }
0xb: {  	s14 =	sadd.s32 $0x2FE00, s2;
	s5 =	sand.u32 $0x1, s3;
	s3 =	simm.s32 $0x40;
	[tilespmem:s0+$0x10] =	vst v0  }
.LBB2_1:
0xc: {  	s3 =	sadd.s32 $0x40, s3;
	[tilespmem:s0+$0x0] =	vst v0;
	s0 =	sadd.s32 $0x80, s0  }
0xd: {  	p0 =	slt.u32 s3, $0x3C40;
	[tilespmem:s0+$0x70] =	vst v0  }
0xe: {  	[tilespmem:s0+$0x60] =	vst v0  }
.Ltmp0:
0xf: {  	[tilespmem:s0+$0x50] =	vst v0;
	(pc) =	sbr.rel @p0 .LBB2_1-.Ltmp0, $4  }
0x10: {  	[tilespmem:s0+$0x40] =	vst v0  }
0x11: {  	[tilespmem:s0+$0x30] =	vst v0  }
0x12: {  	[tilespmem:s0+$0x20] =	vst v0  }
0x13: {  	[tilespmem:s0+$0x10] =	vst v0  }
0x14: {  	s9 =	stileid.u32  }
0x15: {  	s2 =	smul.u32 $0x29, s9  }
0x16: {  	s3 =	smin.u32 s9, $0xB  }
0x17: {  	s2 =	sadd.s32 s3, s2  }
0x18: {  	p0 =	slt.u32 s9, $0xB;
	s7 =	smul.u32 $0xF0, s2;
	s2 =	simm.s32 $0x2760  }
0x19: {  	s2 =	simm.s32 @!p0 $0x2670  }
0x1a: {  	s2 =	sadd.s32 s2, s7  }
0x1b: {  	s8 =	smin.u32 s2, $0x27100  }
0x1c: {  	s2 =	ssub.s32 s8, s7  }
0x1d: {  	p0 =	sgt.s32 s2, $0x0  }
0x1e: {  	s29 =	simm.s32 $0x2;
	s10 =	simm.s32 $0x9;
	s2 =	simm.s32 @!p0 $0x0  }
0x1f: {  	s4 =	simm.s32 $0xA;
	s11 =	simm.s32 $0xB;
	s28 =	smulhi.u32 $0x88888889, s2  }
0x20: {  	[dreg:$0x5] =	wrdreg s5;
	s31 =	smul.u32 $0x4E20, s5;
	s12 =	simm.s32 $0x1  }
0x21: {  	s22 =	simm.s32 $0x0;
	s18 =	simm.s32 $0xC;
	s30 =	sshrl.u32 s28, $0x7  }
0x22: {  	s20 =	simm.s32 $0x0;
	s21 =	simm.s32 $0x0;
	s3 =	smul.u32 $0xF0, s30  }
.Ltmp1:
0x23: {  	[tilespmem:s0+$0x0] =	vst v0;
	v0 =	vimm.s32 $0xFFFFFFFF;
	[sflag:s29] =	ssyncpa.u1 $0x0;
	s16 =	sshll.u32 s9, $0x8;
	(pc) =	sbr.rel .LBB2_3-.Ltmp1, $4  }
0x24: {  	[tilespmem:$0xF208] =	vst v0;
	[sflag:s10] =	ssyncpa.u1 $0x0;
	p0 =	sne.s32 s2, s3;
	s2 =	simm.s32 $0x1  }
0x25: {  	s14 =	sadd.s32 s31, s14;
	[sflag:s4] =	ssyncpa.u1 $0x0;
	s2 =	simm.s32 @!p0 $0x0  }
0x26: {  	s15 =	sadd.s32 s31, s15;
	[sflag:s11] =	ssyncpa.u1 $0x0;
	s13 =	sadd.s32 s2, s30  }
0x27: {  	v0 =	vlaneseq.u32;
	s19 =	smov.u32 s7;
	p0 =	por $0x0, $0x0;
	s17 =	sadd.s32 $0x1, s13  }
.LBB2_18:
0x28: {  	s0 =	sshrl.u32 s31, $0x2  }
.LBB2_20:
0x29: {  	_ =	swait.ge [sflag:s18], s0  }
0x2a: {  	s31 =	ssub.s32 $0x0, s0;
	v1 =	vmov s24;
	vm0 =	veq.s32 v0, $0x0;
	[sflag:s18] =	ssyncset.done $0x0  }
0x2b: {  	vm15 =	veq.s32 v0, $0x2;
	v1 =	vsel vm0, s30, v1;
	[sflag:s18] =	ssyncadd.s32 s31  }
0x2c: {  	v1 =	vsel vm15, s22, v1;
	[sflag:s18] =	ssyncpa.u1 $0x1  }
0x2d: {  	[tilespmem:$0xF208] =	vst v1  }
.LBB2_21:
0x2e: {  	s0 =	sadd.s32 $0xF0, s19  }
0x2f: {  	s2 =	smov.u32 s7;
	p1 =	slt.s32 s0, s8  }
0x30: {  	s2 =	smov.u32 @p1 s0;
	p1 =	sne.s32 s21, s17  }
.Ltmp2:
0x31: {  	_ = 	snop;
	(pc) =	sbr.rel @!p1 .LBB2_22-.Ltmp2, $3  }
0x32: {  	_ =	sdelay $0x1  }
0x33: {  	s22 =	smov.u32 s20;
	s31 =	sadd.s32 $0x1, s21;
	s20 =	smov.u32 s19  }
0x34: {  	p0 =	por !p0, !p0;
	s21 =	smov.u32 s31;
	s19 =	smov.u32 s2  }
.LBB2_3:
0x35: {  	p1 =	sge.u32 s21, s13  }
0x36: {  	s0 =	smulhi.u32 @!p1 $0xAAAAAAAB, s21  }
0x37: {  	s2 =	smov.u32 s19;
	p2 =	sgt.s32 @!p1 s19, $0x27010  }
0x38: {  	s3 =	sshra.s32 @!p1 s19, $0x1F;
	p2 =	por !p2, p1;
	s0 =	sshrl.u32 @!p1 s0, $0x1  }
0x39: {  	s3 =	sand.u32 @!p1 s3, s19;
	s2 =	simm.s32 @p2 $0x27010;
	s0 =	smul.u32 @!p1 $0x3, s0  }
0x3a: {  	s2 =	ssub.s32 @!p1 s2, s3  }
0x3b: {  	s2 =	sadd.s32 @!p1 $0xFFFD8FF0, s2;
	s0 =	ssub.s32 @!p1 s21, s0  }
0x3c: {  	s3 =	sshll.u32 @!p1 s2, $0x2;
	p2 =	sgt.s32 @!p1 s2, $0xEF;
	s0 =	smul.u32 @!p1 $0x3C0, s0  }
0x3d: {  	s4 =	sand.u32 @!p1 $0x7, s19;
	s2 =	ssub.s32 @!p1 $0x3C0, s3;
	p2 =	por !p2, p1  }
0x3e: {  	s3 =	sshrl.u32 @!p1 s19, $0x3;
	s2 =	sshrl.u32 @!p1 s2, $0x2;
	s0 =	sshrl.u32 @!p1 s0, $0x2  }
0x3f: {  	s3 =	sadd.s32 @!p1 s3, s14;
	s2 =	simm.s32 @!p2 $0x0;
	s0 =	sadd.s32 @!p1 $0x10248, s0  }
0x40: {  	[tilespmem:s0], [sflag:$0xA] =	stream.linear.gather @!p1 [hbm4b:s3+s4], s2, $0x38;
	[tilespmem:$0x1F6F8] =	vst v63  }
0x41: {  	s0 =	sadd.s32 $0xFFFFFFFF, s21  }
0x42: {  	p1 =	sge.u32 s0, s13  }
0x43: {  	p2 =	sgt.s32 @!p1 s20, $0x27010  }
0x44: {  	s2 =	smov.u32 s20;
	s3 =	sshra.s32 @!p1 s20, $0x1F;
	p2 =	por !p2, p1  }
0x45: {  	s3 =	sand.u32 @!p1 s3, s20;
	s2 =	simm.s32 @p2 $0x27010  }
0x46: {  	s2 =	ssub.s32 @!p1 s2, s3  }
0x47: {  	s2 =	sadd.s32 @!p1 $0xFFFD8FF0, s2  }
0x48: {  	s4 =	sand.u32 @!p1 $0x1, s0;
	s3 =	sshll.u32 @!p1 s2, $0x2  }
0x49: {  	p2 =	sgt.s32 @!p1 s2, $0xEF;
	s2 =	ssub.s32 @!p1 $0x3C0, s3;
	s3 =	smulhi.u32 @!p1 $0xAAAAAAAB, s0  }
0x4a: {  	s23 =	smul.u32 @!p1 $0x3C0, s4;
	p2 =	por !p2, p1;
	s2 =	sshrl.u32 @!p1 s2, $0x2  }
0x4b: {  	s5 =	simm.s32 @!p1 $0xA;
	s2 =	simm.s32 @!p2 $0x0;
	s3 =	sshrl.u32 @!p1 s3, $0x1  }
0x4c: {  	s23 =	sshrl.u32 @!p1 s23, $0x2;
	_ =	swait.ge @!p1 [sflag:s5], s2;
	s3 =	smul.u32 @!p1 $0x3, s3  }
0x4d: {  	s23 =	sadd.s32 @!p1 $0x10518, s23;
	s24 =	ssub.s32 @!p1 $0x0, s2;
	[sflag:s5] =	ssyncset.done @!p1 $0x0  }
0x4e: {  	[sflag:s5] =	ssyncadd.s32 @!p1 s24;
	s5 =	sshrl.u32 @!p1 s20, $0x3;
	s0 =	ssub.s32 @!p1 s0, s3  }
0x4f: {  	s24 =	sand.u32 @!p1 $0x7, s20;
	s5 =	sadd.s32 @!p1 s5, s15;
	s0 =	smul.u32 @!p1 $0x3C0, s0  }
0x50: {  	[tilespmem:s23], [sflag:$0xB] =	stream.linear.gather @!p1 [hbm4b:s5+s24], s2, $0x38;
	[tilespmem:$0x1F6F8] =	vst v63  }
0x51: {  	s3 =	ssub.s32 @!p1 $0x27100, s20;
	s2 =	smul.u32 @!p1 $0x1E000, s4  }
0x52: {  	p2 =	slt.s32 @!p1 s3, $0xF0  }
0x53: {  	p2 =	por !p2, p1;
	s0 =	sshrl.u32 @!p1 s0, $0x2;
	s2 =	sshrl.u32 @!p1 s2, $0x2  }
0x54: {  	s3 =	simm.s32 @p2 $0xF0;
	s0 =	sadd.s32 @!p1 $0x10248, s0;
	s2 =	sor.u32 @!p1 $0x106F8, s2  }
0x55: {  	[tilespmem:s2], [sflag:$0x9] =	stream.indirect.gather @!p1 [hbm4b:s6+s3], $0x80, s0, s3, $0xb8;
	[tilespmem:$0x1F6F8] =	vst v63  }
0x56: {  	p1 =	slt.u32 s21, $0x2  }
.Ltmp3:
0x57: {  	_ = 	snop;
	(pc) =	sbr.rel @p1 .LBB2_21-.Ltmp3, $1  }
0x58: {  	_ =	sdelay $0x3  }
0x59: {  	p1 =	sgt.s32 s22, $0x27010  }
0x5a: {  	s0 =	smov.u32 s22;
	s2 =	sshra.s32 s22, $0x1F;
	s3 =	ssub.s32 $0x27100, s22  }
0x5b: {  	s0 =	simm.s32 @!p1 $0x27010;
	s2 =	sand.u32 s2, s22;
	p1 =	slt.s32 s3, $0xF0  }
0x5c: {  	s0 =	ssub.s32 s0, s2;
	s3 =	simm.s32 @!p1 $0xF0  }
0x5d: {  	s0 =	sadd.s32 $0xFFFD8FF0, s0;
	s25 =	sshll.u32 s3, $0x7  }
0x5e: {  	s26 =	sshll.u32 s0, $0x2;
	s2 =	sand.u32 $0x3FFFFF80, s25  }
0x5f: {  	p1 =	sgt.s32 s0, $0xEF;
	s29 =	ssub.s32 $0x3C0, s26;
	_ =	swait.ge [sflag:s10], s2  }
0x60: {  	s2 =	ssub.s32 $0x0, s2;
	[sflag:s10] =	ssyncset.done $0x0;
	s0 =	sshrl.u32 s29, $0x2  }
0x61: {  	[sflag:s10] =	ssyncadd.s32 s2;
	s0 =	simm.s32 @p1 $0x0  }
0x62: {  	_ =	swait.ge [sflag:s11], s0  }
0x63: {  	s0 =	ssub.s32 $0x0, s0;
	[sflag:s11] =	ssyncset.done $0x0  }
0x64: {  	[sflag:s11] =	ssyncadd.s32 s0  }
0x65: {  	v1 =	vld [tilespmem:$0xF208];
	_ =	sdelay $0x4  }
0x66: {  	(v2sf) =	vpush v1, $0x0  }
0x67: {  	(v2sf) =	vpush v1, $0x1  }
0x68: {  	(v2sf) =	vpush v1, $0x2;
	_ =	sdelay $0x3  }
0x69: {  	s0 =	sadd.s32 $0xF0, s22  }
0x6a: {  	s2 =	ssub.s32 $0x4E200, s22;
	p1 =	slt.s32 s8, s0  }
0x6b: {  	s0 =	smov.u32 @p1 s8;
	p1 =	sgt.s32 s2, $0x0  }
0x6c: {  	s26 =	ssub.s32 s0, s22;
	s2 =	simm.s32 @!p1 $0x0  }
0x6d: {  	p1 =	slt.s32 s2, s26  }
0x6e: {  	s26 =	smov.u32 @p1 s2  }
0x6f: {  	s25 =	simm.s32 $0x1;
	p1 =	slt.s32 s26, $0x1  }
.Ltmp4:
0x70: {  	s25 =	simm.s32 @!p0 $0x0;
	(pc) =	sbr.rel @p1 .LBB2_8-.Ltmp4, $4  }
0x71: {  	s31 =	smul.u32 $0x3C0, s25  }
0x72: {  	s28 =	spop (v2sf)  }
0x73: {  	s0 =	sshrl.u32 s31, $0x2;
	s30 =	spop (v2sf)  }
0x74: {  	s23 =	sadd.s32 $0x10518, s0;
	s22 =	spop (v2sf)  }
0x75: {  	s0 =	smin.u32 s26, $0x10  }
0x76: {  	v1 =	vmov s0  }
0x77: {  	p2 =	sgt.s32 s26, $0x10;
	vm1 =	vgt.u32 v1, v0  }
.Ltmp5:
0x78: {  	_ = 	snop;
	(pc) =	sbr.rel @!p2 .LBB2_7-.Ltmp5, $2  }
0x79: {  	_ =	sdelay $0x2  }
0x7a: {  	s4 =	simm.s32 $0x10;
	s24 =	sadd.s32 $0xFFFFFFF0, s26;
	s0 =	smov.u32 s23;
	vm0 =	vmmov vm1  }
.LBB2_6:
0x7b: {  	s2 =	smin.u32 s24, $0x10;
	s4 =	sadd.s32 $0x10, s4;
	v1 =	vld.msk [tilespmem:s0+$0x0 ss:$0x1], vm1  }
0x7c: {  	v2 =	vmov s2;
	p2 =	slt.s32 s4, s26  }
0x7d: {  	vm1 =	vgt.u32 v2, v0  }
.Ltmp6:
0x7e: {  	(pc) =	sbr.rel @p2 .LBB2_6-.Ltmp6, $3  }
0x7f: {  	_ =	sdelay $0x1  }
0x80: {  	v1 =	vshll.u32 v1, $0x4  }
0x81: {  	s24 =	sadd.s32 $0xFFFFFFF0, s24;
	[tilespmem:s0+$0x0] =	vst.msk vm0, v1;
	s0 =	sadd.s32 $0x10, s0;
	vm0 =	vmmov vm1  }
.LBB2_7:
0x82: {  	_ =	sdelay $0x4  }
0x83: {  	v1 =	vld.msk [tilespmem:s0+$0x0 ss:$0x1], vm1;
	_ =	sdelay $0x4  }
0x84: {  	v1 =	vshll.u32 v1, $0x4  }
0x85: {  	[tilespmem:s0+$0x0] =	vst.msk vm0, v1  }
.LBB2_8:
0x86: {  	s0 =	sand.u32 $0x1, s21  }
0x87: {  	s0 =	smul.u32 $0xF0, s0  }
0x88: {  	p2 =	sne.s32 s30, $0xFFFFFFFF  }
0x89: {  	v1 =	vld.msk @!p2 [tilespmem:s0+$0x10518], $0x1;
	_ =	sdelay $0x4  }
0x8a: {  	(v2sf) =	vpush @!p2 v1, $0x0;
	_ =	sdelay $0xc  }
.Ltmp7:
0x8b: {  	_ = 	snop;
	(pc) =	sbr.rel @p1 .LBB2_19-.Ltmp7, $4  }
0x8c: {  	_ = 	snop  }
0x8d: {  	s29 =	spop @!p2 (v2sf)  }
0x8e: {  	s22 =	simm.s32 @!p2 $0x0;
	s24 =	smov.u32 s29  }
0x8f: {  	[sflag:s18] =	ssyncpa.u1 $0x0;
	s29 =	smov.u32 @p2 s28;
	s24 =	smov.u32 @p2 s30  }
0x90: {  	v1 =	vld.msk [tilespmem:s23+$0x0], $0x1;
	_ =	sdelay $0x4  }
0x91: {  	(v2sf) =	vpush v1, $0x0;
	_ =	sdelay $0xe  }
0x92: {  	s2 =	smul.u32 $0x1E000, s25;
	s0 =	spop (v2sf)  }
0x93: {  	s26 =	ssub.s32 $0x0, s26;
	p1 =	seq.s32 s29, s0  }
0x94: {  	s30 =	sadd.s32 $0x1, s26;
	s2 =	sshrl.u32 s2, $0x2;
	p2 =	sgt.s32 @!p1 s29, $0x0  }
0x95: {  	s25 =	sor.u32 $0x10738, s2;
	s2 =	smov.u32 s29;
	p2 =	por !p2, p1  }
0x96: {  	s2 =	simm.s32 @p2 $0x0;
	p2 =	seq.s32 s30, $0x0  }
.Ltmp8:
0x97: {  	_ = 	snop;
	(pc) =	sbr.rel @p2 .LBB2_11-.Ltmp8, $4  }
0x98: {  	_ = 	snop  }
0x99: {  	s28 =	simm.s32 $0x0;
	s31 =	sadd.s32 $0x1, s23;
	s2 =	smin.u32 @!p1 s2, $0x9C3F0  }
0x9a: {  	s4 =	simm.s32 @!p1 $0x1;
	s5 =	simm.s32 @!p1 $0x7988;
	s3 =	sand.u32 @!p1 $0xFFFF8, s2  }
0x9b: {  	s4 =	smov.u32 @p1 s28;
	s2 =	sand.u32 @!p1 $0x7, s2;
	s3 =	sadd.s32 @!p1 s1, s3  }
.LBB2_10:
0x9c: {  	s9 =	smov.u32 s4  }
0x9d: {  	[tilespmem:s5], [sflag:$0x2] =	stream.linear.gather @!p1 [hbm4b:s3+s2], $0x80, $0x38;
	[tilespmem:$0x1F6F8] =	vst v63  }
0x9e: {  	s30 =	sadd.s32 $0x1, s30;
	s2 =	smov.u32 s0;
	v1 =	vld.msk [tilespmem:s31+$0x0], $0x1  }
0x9f: {  	p2 =	seq.s32 s30, $0x0;
	_ =	sdelay $0x3  }
0xa0: {  	(v2sf) =	vpush v1, $0x0;
	_ =	sdelay $0xe  }
0xa1: {  	s0 =	spop (v2sf)  }
0xa2: {  	p1 =	seq.s32 s2, s0  }
0xa3: {  	p3 =	sgt.s32 @!p1 s2, $0x0;
	s3 =	sshll.u32 @!p1 s4, $0x9;
	s4 =	sadd.s32 @!p1 $0x1, s4  }
.Ltmp9:
0xa4: {  	p3 =	por !p3, p1;
	s3 =	sshra.s32 @!p1 s3, $0x2;
	(pc) =	sbr.rel @!p2 .LBB2_10-.Ltmp9, $4  }
0xa5: {  	s4 =	smov.u32 @p1 s9;
	s2 =	simm.s32 @p3 $0x0;
	s5 =	sadd.s32 @!p1 $0x7988, s3  }
0xa6: {  	s2 =	smin.u32 @!p1 s2, $0x9C3F0  }
0xa7: {  	s3 =	sand.u32 @!p1 $0xFFFF8, s2;
	s2 =	sand.u32 @!p1 $0x7, s2  }
0xa8: {  	s31 =	sadd.s32 $0x1, s31;
	s3 =	sadd.s32 @!p1 s1, s3  }
.LBB2_11:
0xa9: {  	[tilespmem:s5], [sflag:$0x2] =	stream.linear.gather @!p1 [hbm4b:s3+s2], $0x80, $0x38;
	[tilespmem:$0x1F6F8] =	vst v63  }
.Ltmp10:
0xaa: {  	s0 =	sshll.u32 s4, $0x7;
	(pc) =	sbr.rel .LBB2_12-.Ltmp10, $4  }
0xab: {  	s30 =	simm.s32 $0x2;
	s0 =	sand.u32 $0x3FFFFF80, s0  }
0xac: {  	_ =	swait.ge [sflag:s30], s0  }
0xad: {  	s0 =	ssub.s32 $0x0, s0;
	[sflag:s30] =	ssyncset.done $0x0  }
0xae: {  	s31 =	simm.s32 $0x0;
	[sflag:s30] =	ssyncadd.s32 s0  }
.LBB2_13:
0xaf: {  	v1 =	vld [tilespmem:s25+$0xFFFFFFC0];
	_ =	sdelay $0x3  }
0xb0: {  	s0 =	sshra.s32 s0, $0x2  }
0xb1: {  	[tilespmem:s0+$0x108] =	vst.add.f32.msk $0xffff, v1  }
0xb2: {  	v1 =	vld [tilespmem:s25+$0xFFFFFFD0];
	_ =	sdelay $0x4  }
0xb3: {  	[tilespmem:s0+$0x118] =	vst.add.f32.msk $0xffff, v1  }
0xb4: {  	v1 =	vld [tilespmem:s25+$0xFFFFFFE0];
	_ =	sdelay $0x4  }
0xb5: {  	[tilespmem:s0+$0x128] =	vst.add.f32.msk $0xffff, v1  }
0xb6: {  	v1 =	vld [tilespmem:s25+$0xFFFFFFF0];
	_ =	sdelay $0x4  }
0xb7: {  	[tilespmem:s0+$0x138] =	vst.add.f32.msk $0xffff, v1  }
0xb8: {  	v1 =	vld [tilespmem:s25+$0x0];
	_ =	sdelay $0x4  }
0xb9: {  	[tilespmem:s0+$0x148] =	vst.add.f32.msk $0xffff, v1  }
0xba: {  	v1 =	vld [tilespmem:s25+$0x10];
	_ =	sdelay $0x4  }
0xbb: {  	[tilespmem:s0+$0x158] =	vst.add.f32.msk $0xffff, v1  }
0xbc: {  	v1 =	vld [tilespmem:s25+$0x20];
	_ =	sdelay $0x4  }
0xbd: {  	[tilespmem:s0+$0x168] =	vst.add.f32.msk $0xffff, v1  }
0xbe: {  	v1 =	vld [tilespmem:s25+$0x30];
	_ =	sdelay $0x4  }
0xbf: {  	[tilespmem:s0+$0x178] =	vst.add.f32.msk $0xffff, v1  }
.LBB2_17:
0xc0: {  	s26 =	sadd.s32 $0x1, s26  }
0xc1: {  	p1 =	seq.s32 s26, $0x0  }
.Ltmp11:
0xc2: {  	_ = 	snop;
	(pc) =	sbr.rel @p1 .LBB2_18-.Ltmp11, $2  }
0xc3: {  	_ =	sdelay $0x2  }
0xc4: {  	s23 =	sadd.s32 $0x1, s23;
	s25 =	sadd.s32 $0x80, s25;
	s29 =	smov.u32 s30  }
.LBB2_12:
0xc5: {  	v1 =	vld.msk [tilespmem:s23+$0x0], $0x1;
	_ =	sdelay $0x4  }
0xc6: {  	(v2sf) =	vpush v1, $0x0;
	_ =	sdelay $0xe  }
0xc7: {  	s30 =	spop (v2sf)  }
0xc8: {  	p1 =	sne.s32 s29, s30  }
.Ltmp12:
0xc9: {  	_ = 	snop;
	(pc) =	sbr.rel @!p1 .LBB2_13-.Ltmp12, $2  }
0xca: {  	_ =	sdelay $0x2  }
0xcb: {  	s0 =	sshll.u32 s22, $0x9  }
0xcc: {  	p1 =	seq.s32 s29, s24  }
.Ltmp13:
0xcd: {  	_ = 	snop;
	(pc) =	sbr.rel @!p1 .LBB2_15-.Ltmp13, $1  }
0xce: {  	_ =	sdelay $0x3  }
0xcf: {  	s0 =	sshra.s32 s0, $0x2  }
.Ltmp14:
0xd0: {  	s0 =	sadd.s32 $0x108, s0;
	(pc) =	sbr.rel .LBB2_16-.Ltmp14, $4  }
0xd1: {  	[spmem:s16] =	stream.linear.scatter [tilespmem:s0], [sflag:$0x1], $0x80, $0x38;
	[tilespmem:$0x1F6F8] =	vst v63  }
0xd2: {  	_ =	swait.ge [sflag:s12], $0x80  }
0xd3: {  	[sflag:s12] =	ssyncset.done $0x0  }
0xd4: {  	[sflag:s12] =	ssyncadd.s32 $0xFFFFFF80  }
.LBB2_15:
0xd5: {  	s2 =	sshll.u32 s28, $0x9  }
0xd6: {  	s2 =	sshra.s32 s2, $0x2  }
0xd7: {  	v1 =	vld [tilespmem:s2+$0x7988];
	_ =	sdelay $0x3  }
0xd8: {  	s0 =	sshra.s32 s0, $0x2  }
0xd9: {  	[tilespmem:s0+$0x108] =	vst.add.f32.msk $0xffff, v1  }
0xda: {  	v1 =	vld [tilespmem:s2+$0x7998];
	_ =	sdelay $0x4  }
0xdb: {  	[tilespmem:s0+$0x118] =	vst.add.f32.msk $0xffff, v1  }
0xdc: {  	v1 =	vld [tilespmem:s2+$0x79A8];
	_ =	sdelay $0x4  }
0xdd: {  	[tilespmem:s0+$0x128] =	vst.add.f32.msk $0xffff, v1  }
0xde: {  	v1 =	vld [tilespmem:s2+$0x79B8];
	_ =	sdelay $0x4  }
0xdf: {  	[tilespmem:s0+$0x138] =	vst.add.f32.msk $0xffff, v1  }
0xe0: {  	v1 =	vld [tilespmem:s2+$0x79C8];
	_ =	sdelay $0x4  }
0xe1: {  	[tilespmem:s0+$0x148] =	vst.add.f32.msk $0xffff, v1  }
0xe2: {  	v1 =	vld [tilespmem:s2+$0x79D8];
	_ =	sdelay $0x4  }
0xe3: {  	[tilespmem:s0+$0x158] =	vst.add.f32.msk $0xffff, v1  }
0xe4: {  	v1 =	vld [tilespmem:s2+$0x79E8];
	_ =	sdelay $0x4  }
0xe5: {  	[tilespmem:s0+$0x168] =	vst.add.f32.msk $0xffff, v1  }
0xe6: {  	v1 =	vld [tilespmem:s2+$0x79F8];
	_ =	sdelay $0x2  }
0xe7: {  	p1 =	sgt.u32 s29, $0x9C3F0  }
0xe8: {  	s2 =	sand.u32 @!p1 $0xFFFF8, s29  }
0xe9: {  	s3 =	sadd.s32 $0x108, s0;
	[tilespmem:s0+$0x178] =	vst.add.f32.msk $0xffff, v1;
	s0 =	sadd.s32 @!p1 s1, s2;
	s2 =	sand.u32 @!p1 $0x7, s29  }
0xea: {  	[hbm4b:s0+s2] =	stream.linear.scatter @!p1 [tilespmem:s3], [sflag:$0xC], $0x80, $0x38;
	[tilespmem:$0x1F6F8] =	vst v63  }
0xeb: {  	s0 =	simm.s32 $0x0  }
0xec: {  	s0 =	simm.s32 @!p1 $0x200  }
0xed: {  	s31 =	sadd.s32 s0, s31  }
.LBB2_16:
0xee: {  	s0 =	sadd.s32 $0x1, s22  }
0xef: {  	s2 =	smulhi.u32 $0x88888889, s0;
	_ =	sdelay $0x1  }
0xf0: {  	v1 =	vld [tilespmem:s25+$0xFFFFFFC0];
	s2 =	sshrl.u32 s2, $0x7  }
0xf1: {  	s2 =	smul.u32 $0xF0, s2;
	_ =	sdelay $0x1  }
0xf2: {  	s22 =	ssub.s32 s0, s2  }
0xf3: {  	s0 =	sshll.u32 s22, $0x7  }
0xf4: {  	[tilespmem:s0+$0x108] =	vst v1  }
0xf5: {  	v1 =	vld [tilespmem:s25+$0xFFFFFFD0];
	_ =	sdelay $0x4  }
0xf6: {  	[tilespmem:s0+$0x118] =	vst v1  }
0xf7: {  	v1 =	vld [tilespmem:s25+$0xFFFFFFE0];
	_ =	sdelay $0x4  }
0xf8: {  	[tilespmem:s0+$0x128] =	vst v1  }
0xf9: {  	v1 =	vld [tilespmem:s25+$0xFFFFFFF0];
	_ =	sdelay $0x4  }
0xfa: {  	[tilespmem:s0+$0x138] =	vst v1  }
0xfb: {  	v1 =	vld [tilespmem:s25+$0x0];
	_ =	sdelay $0x4  }
0xfc: {  	[tilespmem:s0+$0x148] =	vst v1  }
0xfd: {  	v1 =	vld [tilespmem:s25+$0x10];
	_ =	sdelay $0x4  }
0xfe: {  	[tilespmem:s0+$0x158] =	vst v1  }
0xff: {  	v1 =	vld [tilespmem:s25+$0x20];
	_ =	sdelay $0x4  }
0x100: {  	[tilespmem:s0+$0x168] =	vst v1  }
0x101: {  	v1 =	vld [tilespmem:s25+$0x30]  }
.Ltmp15:
0x102: {  	_ = 	snop;
	(pc) =	sbr.rel .LBB2_17-.Ltmp15, $2  }
0x103: {  	_ =	sdelay $0x2  }
0x104: {  	s28 =	sadd.s32 $0x1, s28;
	[tilespmem:s0+$0x178] =	vst v1  }
.LBB2_19:
.Ltmp16:
0x105: {  	(pc) =	sbr.rel .LBB2_20-.Ltmp16, $4  }
0x106: {  	_ = 	snop  }
0x107: {  	s0 =	simm.s32 $0x2  }
0x108: {  	_ =	swait.ge [sflag:s0], $0x0  }
0x109: {  	s30 =	smov.u32 s29;
	[sflag:s0] =	ssyncset.done $0x0;
	s0 =	simm.s32 $0x0  }
.LBB2_22:
0x10a: {  	_ =	sfence.sel $0x180000  }
0x10b: {  	s0 =	simm.s32 $0x9;
	[bflag:$0x0] =	sbarrier.arrive $0xFFFF  }
0x10c: {  	s24 =	simm.s32 $0xA;
	[sflag:s0] =	ssyncpa.u1 $0x1  }
0x10d: {  	s25 =	simm.s32 $0xB;
	[sflag:s24] =	ssyncpa.u1 $0x1  }
0x10e: {  	s26 =	simm.s32 $0x2;
	[sflag:s25] =	ssyncpa.u1 $0x1  }
0x10f: {  	[sflag:s26] =	ssyncpa.u1 $0x1  }
0x110: {  	v0 =	vld [tilespmem:$0xF208];
	_ =	sdelay $0x4  }
0x111: {  	(v2sf) =	vpush v0, $0x0  }
0x112: {  	(v2sf) =	vpush v0, $0x1;
	_ =	sdelay $0x1  }
0x113: {  	(v2sf) =	vpush v0, $0x2;
	_ =	sdelay $0xb  }
0x114: {  	s0 =	spop (v2sf)  }
0x115: {  	s2 =	spop (v2sf)  }
0x116: {  	s3 =	smov.u32 s0;
	p0 =	sne.s32 s0, s2  }
0x117: {  	s4 =	spop (v2sf);
	s3 =	simm.s32 @!p0 $0xFFFFFFFF  }
0x118: {  	v2 =	vimm.s32 $0x1;
	v3 =	vlaneseq.u32;
	p0 =	seq.s32 s4, $0xFFFFFFFF;
	v1 =	vmov s3  }
0x119: {  	s16 =	stileid.u32;
	v0 =	vperm.xlane v0, v2;
	p1 =	sne.s32 @!p0 s0, s2;
	v1 =	vperm.xlane v1, v3  }
0x11a: {  	vm0 =	vcmask $0x3F04;
	s6 =	simm.s32 $0xF208;
	s0 =	simm.s32 @!p0 $0x1;
	p1 =	por !p1, p0  }
0x11b: {  	s3 =	sshll.u32 s16, $0x1;
	s2 =	sshll.u32 @!p0 s4, $0x9;
	s0 =	simm.s32 @p1 $0x0;
	v0 =	vsel vm0, v1, v0  }
0x11c: {  	s5 =	sor.u32 $0x1000, s3;
	s2 =	sshra.s32 @!p0 s2, $0x2;
	s0 =	sor.u32 @!p0 s0, s3;
	[tilespmem:$0xF208] =	vst v0  }
0x11d: {  	[spmem:s5] =	stream.linear.scatter [tilespmem:s6], [sflag:$0x1], $0x2, $0x38;
	[tilespmem:$0x1F6F8] =	vst v63  }
0x11e: {  	s2 =	sadd.s32 @!p0 $0x108, s2;
	s0 =	sshll.u32 @!p0 s0, $0x7  }
0x11f: {  	[spmem:s0] =	stream.linear.scatter @!p0 [tilespmem:s2], [sflag:$0x1], $0x80, $0x38;
	[tilespmem:$0x1F6F8] =	vst v63  }
0x120: {  	s0 =	simm.s32 @!p0 $0x82  }
0x121: {  	s28 =	simm.s32 $0x1;
	s0 =	simm.s32 @p0 $0x2  }
0x122: {  	_ =	swait.ge [sflag:s28], s0  }
0x123: {  	s0 =	ssub.s32 $0x0, s0;
	[sflag:s28] =	ssyncset.done $0x0  }
0x124: {  	p0 =	sne.s32 s16, $0x0;
	[sflag:s28] =	ssyncadd.s32 s0  }
.Ltmp17:
0x125: {  	_ =	sfence.stream.spmem;
	(pc) =	sbr.rel @p0 .LBB2_39-.Ltmp17, $4  }
0x126: {  	s29 =	simm.s32 $0x3;
	[bflag:$0x0] =	sbarrier.arrive $0xFFFF  }
0x127: {  	s30 =	simm.s32 $0x4;
	[sflag:s29] =	ssyncpa.u1 $0x1  }
0x128: {  	s31 =	simm.s32 $0x3C;
	[sflag:s30] =	ssyncpa.u1 $0x1  }
0x129: {  	s15 =	rddreg [dreg:$0x5];
	[sflag:s31] =	ssyncpa.u1 $0x1  }
0x12a: {  	_ =	sfence.stream.spmem;
	s0 =	simm.s32 $0x5  }
0x12b: {  	s2 =	simm.s32 $0x1000;
	s3 =	simm.s32 $0xF218;
	[sflag:s0] =	ssyncpa.u1 $0x0  }
0x12c: {  	[tilespmem:s3], [sflag:$0x5] =	stream.linear.gather [spmem:s2], $0x20, $0x38;
	[tilespmem:$0x1F6F8] =	vst v63  }
0x12d: {  	s26 =	simm.s32 $0x0;
	s28 =	simm.s32 $0xF238  }
0x12e: {  	[tilespmem:s28], [sflag:$0x5] =	stream.linear.gather [spmem:s26], $0x1000, $0x38;
	[tilespmem:$0x1F6F8] =	vst v63  }
0x12f: {  	_ =	swait.ge [sflag:s0], $0x1020  }
0x130: {  	[sflag:s0] =	ssyncset.done $0x0  }
0x131: {  	s29 =	simm.s32 $0x0;
	[sflag:s0] =	ssyncadd.s32 $0xFFFFEFE0  }
0x132: {  	v0 =	vld.msk [tilespmem:s29+$0xF218], $0x1;
	_ =	sdelay $0x1  }
0x133: {  	s30 =	simm.s32 $0x1  }
0x134: {  	v1 =	vld.msk [tilespmem:s30+$0xF218], $0x1;
	_ =	sdelay $0x1  }
0x135: {  	(v2sf) =	vpush v0, $0x0;
	_ =	sdelay $0x2  }
0x136: {  	(v2sf) =	vpush v1, $0x0;
	_ =	sdelay $0x2  }
0x137: {  	s31 =	simm.s32 $0x2  }
0x138: {  	v0 =	vld.msk [tilespmem:s31+$0xF218], $0x1;
	_ =	sdelay $0x2  }
0x139: {  	s4 =	simm.s32 $0xFFFFFFFF;
	s5 =	simm.s32 $0xFFFFFFFF;
	s0 =	simm.s32 $0xC  }
.LBB2_24:
0x13a: {  	s2 =	smov.u32 s5;
	s3 =	smov.u32 s4  }
0x13b: {  	s4 =	sshra.s32 s0, $0x2;
	p1 =	sne.s32 s0, $0x7C;
	s0 =	sadd.s32 $0x4, s0;
	(v2sf) =	vpush v0, $0x0  }
0x13c: {  	v0 =	vld.msk [tilespmem:s4+$0xF218], $0x1  }
.Ltmp18:
0x13d: {  	(pc) =	sbr.rel @p1 .LBB2_24-.Ltmp18, $4  }
0x13e: {  	s5 =	spop (v2sf)  }
0x13f: {  	p2 =	sne.s32 s3, $0xFFFFFFFF;
	s4 =	smov.u32 s5  }
0x140: {  	p3 =	seq.s32 s5, $0xFFFFFFFF;
	s4 =	smov.u32 @p2 s3  }
0x141: {  	s5 =	smov.u32 @p3 s2;
	s4 =	smov.u32 @p3 s3  }
0x142: {  	(v2sf) =	vpush v0, $0x0;
	_ =	sdelay $0x8  }
0x143: {  	s0 =	spop (v2sf)  }
0x144: {  	p1 =	sne.s32 s4, $0xFFFFFFFF;
	s2 =	smov.u32 s0  }
0x145: {  	s9 =	simm.s32 $0x6;
	p2 =	seq.s32 s0, $0xFFFFFFFF;
	s2 =	smov.u32 @p1 s4  }
0x146: {  	s6 =	simm.s32 $0x0;
	s2 =	smov.u32 @p2 s4;
	s3 =	spop (v2sf)  }
0x147: {  	s0 =	smov.u32 @p2 s5;
	p1 =	sne.s32 s2, $0xFFFFFFFF;
	s4 =	smov.u32 s3  }
.Ltmp19:
0x148: {  	p2 =	seq.s32 s3, $0xFFFFFFFF;
	s4 =	smov.u32 @p1 s2;
	(pc) =	sbr.rel .LBB2_26-.Ltmp19, $4  }
0x149: {  	s10 =	simm.s32 $0xF188;
	s4 =	smov.u32 @p2 s2;
	s7 =	spop (v2sf)  }
0x14a: {  	s11 =	simm.s32 $0x0;
	p1 =	sne.s32 s4, $0xFFFFFFFF;
	s8 =	smov.u32 s7  }
0x14b: {  	s3 =	smov.u32 @p2 s0;
	p2 =	seq.s32 s7, $0xFFFFFFFF;
	s8 =	smov.u32 @p1 s4  }
0x14c: {  	[sflag:s9] =	ssyncpa.u1 $0x0;
	s7 =	smov.u32 @p2 s3;
	s8 =	smov.u32 @p2 s4  }
.LBB2_32:
0x14d: {  	p1 =	sgt.u32 s12, $0x9C3F0  }
0x14e: {  	p2 =	seq.s32 @!p1 s12, s8  }
0x14f: {  	p1 =	por p1, p2  }
0x150: {  	p2 =	sne.s32 @!p1 s12, s7  }
0x151: {  	p1 =	por p1, !p2  }
0x152: {  	s0 =	sshll.u32 @p1 s11, $0x9  }
0x153: {  	s0 =	sand.u32 @!p1 $0xFFFF8, s12  }
0x154: {  	s2 =	sand.u32 @!p1 $0x7, s12;
	s0 =	sadd.s32 @!p1 s1, s0  }
0x155: {  	[tilespmem:s10], [sflag:$0x6] =	stream.linear.gather @!p1 [hbm4b:s0+s2], $0x80, $0x38;
	[tilespmem:$0x1F6F8] =	vst v63  }
0x156: {  	_ =	swait.ge @!p1 [sflag:s9], $0x80  }
0x157: {  	[sflag:s9] =	ssyncset.done @!p1 $0x0  }
0x158: {  	[sflag:s9] =	ssyncadd.s32 @!p1 $0xFFFFFF80  }
0x159: {  	v1 =	vld @!p1 [tilespmem:$0xF188];
	_ =	sdelay $0x2  }
0x15a: {  	s0 =	sshll.u32 @!p1 s11, $0x9  }
0x15b: {  	s2 =	sshrl.u32 @!p1 s0, $0x2  }
0x15c: {  	[tilespmem:s2+$0xF238] =	vst.add.f32.msk @!p1 $0xffff, v1  }
0x15d: {  	v1 =	vld @!p1 [tilespmem:$0xF198];
	_ =	sdelay $0x4  }
0x15e: {  	[tilespmem:s2+$0xF248] =	vst.add.f32.msk @!p1 $0xffff, v1  }
0x15f: {  	v1 =	vld @!p1 [tilespmem:$0xF1A8];
	_ =	sdelay $0x4  }
0x160: {  	[tilespmem:s2+$0xF258] =	vst.add.f32.msk @!p1 $0xffff, v1  }
0x161: {  	v1 =	vld @!p1 [tilespmem:$0xF1B8];
	_ =	sdelay $0x4  }
0x162: {  	[tilespmem:s2+$0xF268] =	vst.add.f32.msk @!p1 $0xffff, v1  }
0x163: {  	v1 =	vld @!p1 [tilespmem:$0xF1C8];
	_ =	sdelay $0x4  }
0x164: {  	[tilespmem:s2+$0xF278] =	vst.add.f32.msk @!p1 $0xffff, v1  }
0x165: {  	v1 =	vld @!p1 [tilespmem:$0xF1D8];
	_ =	sdelay $0x4  }
0x166: {  	[tilespmem:s2+$0xF288] =	vst.add.f32.msk @!p1 $0xffff, v1  }
0x167: {  	v1 =	vld @!p1 [tilespmem:$0xF1E8];
	_ =	sdelay $0x4  }
0x168: {  	[tilespmem:s2+$0xF298] =	vst.add.f32.msk @!p1 $0xffff, v1  }
0x169: {  	v1 =	vld @!p1 [tilespmem:$0xF1F8];
	_ =	sdelay $0x4  }
0x16a: {  	[tilespmem:s2+$0xF2A8] =	vst.add.f32.msk @!p1 $0xffff, v1  }
0x16b: {  	s0 =	sshrl.u32 s0, $0x2;
	[tilespmem:s6+$0xF218] =	vst.msk $0x1, v0  }
0x16c: {  	v0 =	vld [tilespmem:s0+$0xF238];
	_ =	sdelay $0x2  }
0x16d: {  	s31 =	sshll.u32 s6, $0x9  }
0x16e: {  	s2 =	sshra.s32 s31, $0x2  }
0x16f: {  	[tilespmem:s2+$0xF238] =	vst v0  }
0x170: {  	v0 =	vld [tilespmem:s0+$0xF248];
	_ =	sdelay $0x4  }
0x171: {  	[tilespmem:s2+$0xF248] =	vst v0  }
0x172: {  	v0 =	vld [tilespmem:s0+$0xF258];
	_ =	sdelay $0x4  }
0x173: {  	[tilespmem:s2+$0xF258] =	vst v0  }
0x174: {  	v0 =	vld [tilespmem:s0+$0xF268];
	_ =	sdelay $0x4  }
0x175: {  	[tilespmem:s2+$0xF268] =	vst v0  }
0x176: {  	v0 =	vld [tilespmem:s0+$0xF278];
	_ =	sdelay $0x4  }
0x177: {  	[tilespmem:s2+$0xF278] =	vst v0  }
0x178: {  	v0 =	vld [tilespmem:s0+$0xF288];
	_ =	sdelay $0x4  }
0x179: {  	[tilespmem:s2+$0xF288] =	vst v0  }
0x17a: {  	v0 =	vld [tilespmem:s0+$0xF298];
	_ =	sdelay $0x4  }
0x17b: {  	[tilespmem:s2+$0xF298] =	vst v0  }
0x17c: {  	v0 =	vld [tilespmem:s0+$0xF2A8];
	_ =	sdelay $0x4  }
0x17d: {  	s6 =	sadd.s32 $0x1, s6;
	[tilespmem:s2+$0xF2A8] =	vst v0  }
.LBB2_33:
0x17e: {  	s11 =	sadd.s32 $0x1, s11  }
0x17f: {  	p1 =	sne.s32 s11, $0x20  }
.Ltmp20:
0x180: {  	_ = 	snop;
	(pc) =	sbr.rel @!p1 .LBB2_34-.Ltmp20, $1  }
0x181: {  	_ =	sdelay $0x3  }
.LBB2_26:
0x182: {  	v0 =	vld.msk [tilespmem:s11+$0xF218], $0x1;
	_ =	sdelay $0x4  }
0x183: {  	(v2sf) =	vpush v0, $0x0;
	_ =	sdelay $0xe  }
0x184: {  	s12 =	spop (v2sf)  }
0x185: {  	p1 =	seq.s32 s12, $0xFFFFFFFF  }
.Ltmp21:
0x186: {  	_ = 	snop;
	(pc) =	sbr.rel @p1 .LBB2_33-.Ltmp21, $1  }
0x187: {  	_ =	sdelay $0x3  }
0x188: {  	p1 =	slt.s32 s6, $0x1  }
.Ltmp22:
0x189: {  	_ = 	snop;
	(pc) =	sbr.rel @p1 .LBB2_32-.Ltmp22, $1  }
0x18a: {  	_ =	sdelay $0x3  }
0x18b: {  	s13 =	simm.s32 $0xF218;
	p1 =	por $0x0, $0x0  }
0x18c: {  	v1 =	vld.msk @!p1 [tilespmem:s13+$0x0], $0x1;
	_ =	sdelay $0x4  }
0x18d: {  	(v2sf) =	vpush @!p1 v1, $0x0;
	_ =	sdelay $0xd  }
0x18e: {  	p3 =	sne.s32 s6, $0x1  }
.Ltmp23:
0x18f: {  	s0 =	spop @!p1 (v2sf);
	(pc) =	sbr.rel @!p3 .LBB2_30-.Ltmp23, $4  }
0x190: {  	p2 =	seq.s32 @!p1 s12, s0  }
0x191: {  	s14 =	simm.s32 $0x0;
	p2 =	por !p2, p1  }
0x192: {  	s2 =	simm.s32 $0xFFFFFFFF;
	s14 =	simm.s32 @p2 $0xFFFFFFFF  }
0x193: {  	s0 =	simm.s32 $0x1;
	s14 =	smov.u32 @p1 s2  }
.LBB2_29:
0x194: {  	s2 =	smov.u32 s14;
	p1 =	sne.s32 s14, $0xFFFFFFFF  }
0x195: {  	s13 =	sadd.s32 $0x1, s13;
	s14 =	smov.u32 s0;
	s0 =	sadd.s32 $0x1, s0  }
0x196: {  	p2 =	sne.s32 s6, s0;
	v1 =	vld.msk @!p1 [tilespmem:s13+$0x0], $0x1;
	_ =	sdelay $0x4  }
0x197: {  	(v2sf) =	vpush @!p1 v1, $0x0;
	_ =	sdelay $0xe  }
.Ltmp24:
0x198: {  	s3 =	spop @!p1 (v2sf);
	(pc) =	sbr.rel @p2 .LBB2_29-.Ltmp24, $4  }
0x199: {  	p3 =	seq.s32 @!p1 s12, s3  }
0x19a: {  	p3 =	por !p3, p1  }
0x19b: {  	s14 =	simm.s32 @p3 $0xFFFFFFFF  }
0x19c: {  	s14 =	smov.u32 @p1 s2  }
.LBB2_30:
0x19d: {  	p1 =	seq.s32 s14, $0xFFFFFFFF  }
.Ltmp25:
0x19e: {  	_ = 	snop;
	(pc) =	sbr.rel @p1 .LBB2_32-.Ltmp25, $1  }
0x19f: {  	_ =	sdelay $0x3  }
0x1a0: {  	s0 =	sshll.u32 s11, $0x7  }
0x1a1: {  	s0 =	sand.u32 $0x3FFFFF80, s0  }
0x1a2: {  	v0 =	vld [tilespmem:s0+$0xF238];
	_ =	sdelay $0x2  }
0x1a3: {  	s2 =	sshll.u32 s14, $0x9  }
0x1a4: {  	s2 =	sshra.s32 s2, $0x2  }
0x1a5: {  	[tilespmem:s2+$0xF238] =	vst.add.f32.msk $0xffff, v0  }
0x1a6: {  	v0 =	vld [tilespmem:s0+$0xF248];
	_ =	sdelay $0x4  }
0x1a7: {  	[tilespmem:s2+$0xF248] =	vst.add.f32.msk $0xffff, v0  }
0x1a8: {  	v0 =	vld [tilespmem:s0+$0xF258];
	_ =	sdelay $0x4  }
0x1a9: {  	[tilespmem:s2+$0xF258] =	vst.add.f32.msk $0xffff, v0  }
0x1aa: {  	v0 =	vld [tilespmem:s0+$0xF268];
	_ =	sdelay $0x4  }
0x1ab: {  	[tilespmem:s2+$0xF268] =	vst.add.f32.msk $0xffff, v0  }
0x1ac: {  	v0 =	vld [tilespmem:s0+$0xF278];
	_ =	sdelay $0x4  }
0x1ad: {  	[tilespmem:s2+$0xF278] =	vst.add.f32.msk $0xffff, v0  }
0x1ae: {  	v0 =	vld [tilespmem:s0+$0xF288];
	_ =	sdelay $0x4  }
0x1af: {  	[tilespmem:s2+$0xF288] =	vst.add.f32.msk $0xffff, v0  }
0x1b0: {  	v0 =	vld [tilespmem:s0+$0xF298];
	_ =	sdelay $0x4  }
0x1b1: {  	[tilespmem:s2+$0xF298] =	vst.add.f32.msk $0xffff, v0  }
0x1b2: {  	v0 =	vld [tilespmem:s0+$0xF2A8]  }
.Ltmp26:
0x1b3: {  	_ = 	snop;
	(pc) =	sbr.rel .LBB2_33-.Ltmp26, $2  }
0x1b4: {  	_ =	sdelay $0x2  }
0x1b5: {  	[tilespmem:s2+$0xF2A8] =	vst.add.f32.msk $0xffff, v0  }
.LBB2_34:
0x1b6: {  	s0 =	simm.s32 $0x6;
	p1 =	seq.s32 s6, $0x0  }
0x1b7: {  	[sflag:s0] =	ssyncpa.u1 $0x1;
	v0 =	vimm.s32 @p1 $0xFFFFFFFF  }
0x1b8: {  	s9 =	sadd.s32 $0xFFFFFFFF, s6;
	[tilespmem:$0x10238] =	vst @p1 v0  }
0x1b9: {  	v0 =	vld.msk @!p1 [tilespmem:s9+$0xF218], $0x1;
	_ =	sdelay $0x1  }
0x1ba: {  	v1 =	vld.msk @!p1 [tilespmem:$0xF218], $0x1;
	_ =	sdelay $0x2  }
0x1bb: {  	p2 =	seq.s32 @!p1 s9, $0x0;
	v0 =	vbroadcast @!p1 v0, $0x0  }
0x1bc: {  	vm0 =	vmmov @!p1 $0x1;
	p2 =	por !p2, p1  }
0x1bd: {  	v1 =	vnsel @!p1 vm0, $0xFFFFFFFF, v1;
	vm0 =	vcmask @!p1 $0x308;
	v0 =	vpsel !p2, $0xFFFFFFFF, v0  }
0x1be: {  	p2 =	sne.s32 @!p1 s8, s7;
	v0 =	vsel @!p1 vm0, v1, v0  }
0x1bf: {  	s0 =	simm.s32 @!p1 $0xF238;
	s2 =	simm.s32 @!p1 $0x0;
	p3 =	por !p2, p1;
	[tilespmem:$0x10238] =	vst @!p1 v0  }
0x1c0: {  	[spmem:s2] =	stream.linear.scatter @!p1 [tilespmem:s0], [sflag:$0x1], $0x80, $0x38;
	[tilespmem:$0x1F6F8] =	vst v63  }
0x1c1: {  	s0 =	sshll.u32 @!p3 s9, $0x9  }
0x1c2: {  	s0 =	sshra.s32 @!p3 s0, $0x2  }
0x1c3: {  	s2 =	simm.s32 @!p3 $0x80;
	s0 =	sadd.s32 @!p3 $0xF238, s0  }
0x1c4: {  	[spmem:s2] =	stream.linear.scatter @!p3 [tilespmem:s0], [sflag:$0x1], $0x80, $0x38;
	[tilespmem:$0x1F6F8] =	vst v63  }
0x1c5: {  	s0 =	simm.s32 @!p3 $0x1  }
0x1c6: {  	_ =	swait.ge @!p3 [sflag:s0], $0x100  }
0x1c7: {  	p1 =	por p2, p1;
	[sflag:s0] =	ssyncset.done @!p3 $0x0  }
0x1c8: {  	[sflag:s0] =	ssyncadd.s32 @!p3 $0xFFFFFF00;
	s0 =	simm.s32 @!p1 $0x1  }
0x1c9: {  	_ =	swait.ge @!p1 [sflag:s0], $0x80  }
0x1ca: {  	s29 =	simm.s32 $0x10238;
	[sflag:s0] =	ssyncset.done @!p1 $0x0  }
0x1cb: {  	s30 =	simm.s32 $0x1000;
	s31 =	simm.s32 $0x1;
	[sflag:s0] =	ssyncadd.s32 @!p1 $0xFFFFFF80  }
0x1cc: {  	[spmem:s30] =	stream.linear.scatter [tilespmem:s29], [sflag:$0x1], $0x10, $0x38;
	[tilespmem:$0x1F6F8] =	vst v63  }
0x1cd: {  	_ =	swait.ge [sflag:s31], $0x10  }
0x1ce: {  	[sflag:s31] =	ssyncset.done $0x0  }
0x1cf: {  	p1 =	seq.s32 s15, $0x0;
	s8 =	rddreg [dreg:$0x2];
	[sflag:s31] =	ssyncadd.s32 $0xFFFFFFF0  }
0x1d0: {  	s2 =	sshll.u32 @p1 s8, $0xE;
	s7 =	rddreg [dreg:$0x3]  }
0x1d1: {  	s0 =	sadd.s32 @p1 $0x15C3C, s2;
	s2 =	sshll.u32 @p1 s7, $0x11  }
0x1d2: {  	_ =	sfence.stream.spmem;
	s0 =	sor.u32 @p1 s2, s0  }
0x1d3: {  	[sflag:s0] =	ssyncadd.remote.s32 @p1 $0x1;
	s0 =	simm.s32 @p1 $0x4  }
0x1d4: {  	s3 =	simm.s32 @!p1 $0x3C;
	s2 =	sand.u32 $0xFFFFFFFE, s8;
	_ =	swait.ge @p1 [sflag:s0], $0x22  }
0x1d5: {  	s4 =	simm.s32 @!p1 $0x0;
	s2 =	sadd.s32 @!p1 $0x4, s2;
	[sflag:s0] =	ssyncset.done @p1 $0x0  }
0x1d6: {  	s5 =	simm.s32 @!p1 $0x100;
	[sflag:s0] =	ssyncadd.s32 @p1 $0xFFFFFFDE;
	s0 =	sshll.u32 @!p1 s2, $0x1A  }
0x1d7: {  	s2 =	sshll.u32 @!p1 s2, $0xD;
	s0 =	sor.u32 @!p1 s0, s7;
	_ =	swait.eq @!p1 [sflag:s3], $0x1  }
0x1d8: {  	s2 =	sor.u32 @!p1 $0x1C04, s2;
	s3 =	simm.s32 @!p1 $0x1C03;
	s0 =	sor.u32 @!p1 $0x80004000, s0  }
0x1d9: {  	[spmem:s5], [sflag:s2] =	dma.general @!p1 [spmem:s4], [sflag:s3], length:$0x20, [dreg:$0x0], stride_count:$0x0, ici_dest:s0, dma_misc:DstOpCode:WRITE  }
0x1da: {  	p2 =	slt.s32 s9, $0x2;
	s4 =	simm.s32 @!p1 $0x200;
	s5 =	simm.s32 @!p1 $0x202  }
0x1db: {  	[spmem:s5], [sflag:s2] =	dma.general @!p1 [spmem:s4], [sflag:s3], length:$0x2, [dreg:$0x0], stride_count:$0x0, ici_dest:s0, dma_misc:DstOpCode:WRITE  }
.Ltmp27:
0x1dc: {  	s0 =	simm.s32 @!p1 $0x3;
	(pc) =	sbr.rel @p2 .LBB2_38-.Ltmp27, $4  }
0x1dd: {  	s2 =	sshll.u32 @!p1 s8, $0xE;
	_ =	swait.ge @!p1 [sflag:s0], $0x22  }
0x1de: {  	s3 =	sshll.u32 @!p1 s7, $0x11;
	s2 =	sadd.s32 @!p1 $0x11C3C, s2;
	[sflag:s0] =	ssyncset.done @!p1 $0x0  }
0x1df: {  	[sflag:s0] =	ssyncadd.s32 @!p1 $0xFFFFFFDE;
	s0 =	sor.u32 @!p1 s3, s2  }
0x1e0: {  	[sflag:s0] =	ssyncadd.remote.s32 @!p1 $0xFFFFFFFF;
	s0 =	simm.s32 $0x0  }
0x1e1: {  	s0 =	simm.s32 $0xF219  }
0x1e2: {  	v0 =	vld.msk [tilespmem:s0+$0x0], $0x1;
	_ =	sdelay $0x4  }
0x1e3: {  	(v2sf) =	vpush v0, $0x0;
	_ =	sdelay $0xb  }
0x1e4: {  	s31 =	sadd.s32 $0xFFFFFFFE, s6  }
0x1e5: {  	s0 =	sadd.s32 $0xFFFFFFFF, s31  }
0x1e6: {  	p2 =	sne.s32 s0, $0x0  }
.Ltmp28:
0x1e7: {  	s2 =	spop (v2sf);
	(pc) =	sbr.rel @!p2 .LBB2_37-.Ltmp28, $4  }
0x1e8: {  	s4 =	simm.s32 $0xF2B8;
	s7 =	simm.s32 $0x0;
	p1 =	sgt.u32 s2, $0x9C3F0  }
0x1e9: {  	s5 =	simm.s32 $0x0;
	s6 =	simm.s32 $0xF21A;
	s3 =	sand.u32 @!p1 $0xFFFF8, s2  }
0x1ea: {  	s2 =	sand.u32 @!p1 $0x7, s2;
	s7 =	simm.s32 @!p1 $0x200;
	s3 =	sadd.s32 @!p1 s1, s3  }
0x1eb: {  	[hbm4b:s3+s2] =	stream.linear.scatter @!p1 [tilespmem:s4], [sflag:$0x5], $0x80, $0x38;
	[tilespmem:$0x1F6F8] =	vst v63  }
.LBB2_36:
0x1ec: {  	v0 =	vld.msk [tilespmem:s6+$0x0], $0x1;
	s0 =	sadd.s32 $0xFFFFFFFF, s0;
	s5 =	sadd.s32 s5, s7  }
0x1ed: {  	p1 =	sne.s32 s0, $0x0;
	_ =	sdelay $0x3  }
0x1ee: {  	(v2sf) =	vpush v0, $0x0;
	_ =	sdelay $0xe  }
.Ltmp29:
0x1ef: {  	s2 =	spop (v2sf);
	(pc) =	sbr.rel @p1 .LBB2_36-.Ltmp29, $4  }
0x1f0: {  	s7 =	simm.s32 $0x0;
	p2 =	sgt.u32 s2, $0x9C3F0  }
0x1f1: {  	s4 =	sadd.s32 $0x80, s4;
	s7 =	simm.s32 @!p2 $0x200;
	s3 =	sand.u32 @!p2 $0xFFFF8, s2  }
0x1f2: {  	s6 =	sadd.s32 $0x1, s6;
	s2 =	sand.u32 @!p2 $0x7, s2;
	s3 =	sadd.s32 @!p2 s1, s3  }
0x1f3: {  	[hbm4b:s3+s2] =	stream.linear.scatter @!p2 [tilespmem:s4], [sflag:$0x5], $0x80, $0x38;
	[tilespmem:$0x1F6F8] =	vst v63  }
.LBB2_37:
0x1f4: {  	s0 =	sadd.s32 s5, s7  }
0x1f5: {  	s0 =	sshrl.u32 s0, $0x2  }
.LBB2_38:
0x1f6: {  	s2 =	simm.s32 $0x5  }
0x1f7: {  	_ =	swait.ge [sflag:s2], s0  }
0x1f8: {  	s31 =	ssub.s32 $0x0, s0;
	[sflag:s2] =	ssyncset.done $0x0  }
0x1f9: {  	[sflag:s2] =	ssyncadd.s32 s31  }
0x1fa: {  	[sflag:s2] =	ssyncpa.u1 $0x1  }
.LBB2_39:
0x1fb: {  	s0 =	sor.u32 s15, s16  }
0x1fc: {  	p1 =	sne.s32 s0, $0x0  }
.Ltmp30:
0x1fd: {  	_ = 	snop;
	(pc) =	sbr.rel @p1 .LBB2_54-.Ltmp30, $3  }
0x1fe: {  	_ =	sdelay $0x1  }
0x1ff: {  	[bflag:$0x0] =	sbarrier.arrive $0xFFFF  }
0x200: {  	_ =	sfence  }
0x201: {  	s0 =	simm.s32 $0x7  }
0x202: {  	s2 =	simm.s32 $0x1000;
	s3 =	simm.s32 $0xF218;
	[sflag:s0] =	ssyncpa.u1 $0x0  }
0x203: {  	[tilespmem:s3], [sflag:$0x7] =	stream.linear.gather [spmem:s2], $0x20, $0x38;
	[tilespmem:$0x1F6F8] =	vst v63  }
0x204: {  	s30 =	simm.s32 $0xF238;
	s2 =	simm.s32 $0x0  }
0x205: {  	[tilespmem:s30], [sflag:$0x7] =	stream.linear.gather [spmem:s2], $0x1000, $0x38;
	[tilespmem:$0x1F6F8] =	vst v63  }
.Ltmp31:
0x206: {  	_ = 	snop;
	(pc) =	sbr.rel .LBB2_41-.Ltmp31, $4  }
0x207: {  	_ =	swait.ge [sflag:s0], $0x1020  }
0x208: {  	[sflag:s0] =	ssyncset.done $0x0  }
0x209: {  	s31 =	simm.s32 $0x8;
	[sflag:s0] =	ssyncadd.s32 $0xFFFFEFE0  }
0x20a: {  	s3 =	simm.s32 $0x0;
	[sflag:s31] =	ssyncpa.u1 $0x0  }
.LBB2_47:
0x20b: {  	p1 =	slt.u32 s4, $0x9C3F1  }
0x20c: {  	s0 =	sand.u32 @p1 $0xFFFF8, s4  }
0x20d: {  	s4 =	sand.u32 @p1 $0x7, s4;
	s5 =	simm.s32 @p1 $0xF188;
	s0 =	sadd.s32 @p1 s1, s0  }
0x20e: {  	[tilespmem:s5], [sflag:$0x8] =	stream.linear.gather @p1 [hbm4b:s0+s4], $0x80, $0x38;
	[tilespmem:$0x1F6F8] =	vst v63  }
0x20f: {  	s0 =	simm.s32 @p1 $0x8  }
0x210: {  	_ =	swait.ge @p1 [sflag:s0], $0x80  }
0x211: {  	[sflag:s0] =	ssyncset.done @p1 $0x0  }
0x212: {  	[sflag:s0] =	ssyncadd.s32 @p1 $0xFFFFFF80  }
0x213: {  	v1 =	vld @p1 [tilespmem:$0xF188];
	_ =	sdelay $0x2  }
0x214: {  	s0 =	sshll.u32 @p1 s3, $0x9  }
0x215: {  	s4 =	sshrl.u32 @p1 s0, $0x2  }
0x216: {  	[tilespmem:s4+$0xF238] =	vst.add.f32.msk @p1 $0xffff, v1  }
0x217: {  	v1 =	vld @p1 [tilespmem:$0xF198];
	_ =	sdelay $0x4  }
0x218: {  	[tilespmem:s4+$0xF248] =	vst.add.f32.msk @p1 $0xffff, v1  }
0x219: {  	v1 =	vld @p1 [tilespmem:$0xF1A8];
	_ =	sdelay $0x4  }
0x21a: {  	[tilespmem:s4+$0xF258] =	vst.add.f32.msk @p1 $0xffff, v1  }
0x21b: {  	v1 =	vld @p1 [tilespmem:$0xF1B8];
	_ =	sdelay $0x4  }
0x21c: {  	[tilespmem:s4+$0xF268] =	vst.add.f32.msk @p1 $0xffff, v1  }
0x21d: {  	v1 =	vld @p1 [tilespmem:$0xF1C8];
	_ =	sdelay $0x4  }
0x21e: {  	[tilespmem:s4+$0xF278] =	vst.add.f32.msk @p1 $0xffff, v1  }
0x21f: {  	v1 =	vld @p1 [tilespmem:$0xF1D8];
	_ =	sdelay $0x4  }
0x220: {  	[tilespmem:s4+$0xF288] =	vst.add.f32.msk @p1 $0xffff, v1  }
0x221: {  	v1 =	vld @p1 [tilespmem:$0xF1E8];
	_ =	sdelay $0x4  }
0x222: {  	[tilespmem:s4+$0xF298] =	vst.add.f32.msk @p1 $0xffff, v1  }
0x223: {  	v1 =	vld @p1 [tilespmem:$0xF1F8];
	_ =	sdelay $0x3  }
0x224: {  	s5 =	sshll.u32 @!p1 s3, $0x9  }
0x225: {  	s5 =	smov.u32 @p1 s0;
	[tilespmem:s4+$0xF2A8] =	vst.add.f32.msk @p1 $0xffff, v1  }
0x226: {  	s0 =	sshrl.u32 s5, $0x2;
	[tilespmem:s2+$0xF218] =	vst.msk $0x1, v0  }
0x227: {  	v0 =	vld [tilespmem:s0+$0xF238];
	_ =	sdelay $0x2  }
0x228: {  	s31 =	sshll.u32 s2, $0x9  }
0x229: {  	s4 =	sshra.s32 s31, $0x2  }
0x22a: {  	[tilespmem:s4+$0xF238] =	vst v0  }
0x22b: {  	v0 =	vld [tilespmem:s0+$0xF248];
	_ =	sdelay $0x4  }
0x22c: {  	[tilespmem:s4+$0xF248] =	vst v0  }
0x22d: {  	v0 =	vld [tilespmem:s0+$0xF258];
	_ =	sdelay $0x4  }
0x22e: {  	[tilespmem:s4+$0xF258] =	vst v0  }
0x22f: {  	v0 =	vld [tilespmem:s0+$0xF268];
	_ =	sdelay $0x4  }
0x230: {  	[tilespmem:s4+$0xF268] =	vst v0  }
0x231: {  	v0 =	vld [tilespmem:s0+$0xF278];
	_ =	sdelay $0x4  }
0x232: {  	[tilespmem:s4+$0xF278] =	vst v0  }
0x233: {  	v0 =	vld [tilespmem:s0+$0xF288];
	_ =	sdelay $0x4  }
0x234: {  	[tilespmem:s4+$0xF288] =	vst v0  }
0x235: {  	v0 =	vld [tilespmem:s0+$0xF298];
	_ =	sdelay $0x4  }
0x236: {  	[tilespmem:s4+$0xF298] =	vst v0  }
0x237: {  	v0 =	vld [tilespmem:s0+$0xF2A8];
	_ =	sdelay $0x4  }
0x238: {  	s2 =	sadd.s32 $0x1, s2;
	[tilespmem:s4+$0xF2A8] =	vst v0  }
.LBB2_48:
0x239: {  	s3 =	sadd.s32 $0x1, s3  }
0x23a: {  	p1 =	sne.s32 s3, $0x20  }
.Ltmp32:
0x23b: {  	_ = 	snop;
	(pc) =	sbr.rel @!p1 .LBB2_49-.Ltmp32, $1  }
0x23c: {  	_ =	sdelay $0x3  }
.LBB2_41:
0x23d: {  	v0 =	vld.msk [tilespmem:s3+$0xF218], $0x1;
	_ =	sdelay $0x4  }
0x23e: {  	(v2sf) =	vpush v0, $0x0;
	_ =	sdelay $0xe  }
0x23f: {  	s4 =	spop (v2sf)  }
0x240: {  	p1 =	seq.s32 s4, $0xFFFFFFFF  }
.Ltmp33:
0x241: {  	_ = 	snop;
	(pc) =	sbr.rel @p1 .LBB2_48-.Ltmp33, $1  }
0x242: {  	_ =	sdelay $0x3  }
0x243: {  	p1 =	slt.s32 s2, $0x1  }
.Ltmp34:
0x244: {  	_ = 	snop;
	(pc) =	sbr.rel @p1 .LBB2_47-.Ltmp34, $1  }
0x245: {  	_ =	sdelay $0x3  }
0x246: {  	s5 =	simm.s32 $0xF218;
	p1 =	por $0x0, $0x0  }
0x247: {  	v1 =	vld.msk @!p1 [tilespmem:s5+$0x0], $0x1;
	_ =	sdelay $0x4  }
0x248: {  	(v2sf) =	vpush @!p1 v1, $0x0;
	_ =	sdelay $0xd  }
0x249: {  	p3 =	sne.s32 s2, $0x1  }
.Ltmp35:
0x24a: {  	s0 =	spop @!p1 (v2sf);
	(pc) =	sbr.rel @!p3 .LBB2_45-.Ltmp35, $4  }
0x24b: {  	p2 =	seq.s32 @!p1 s4, s0  }
0x24c: {  	s6 =	simm.s32 $0x0;
	p2 =	por !p2, p1  }
0x24d: {  	s7 =	simm.s32 $0xFFFFFFFF;
	s6 =	simm.s32 @p2 $0xFFFFFFFF  }
0x24e: {  	s0 =	simm.s32 $0x1;
	s6 =	smov.u32 @p1 s7  }
.LBB2_44:
0x24f: {  	s7 =	smov.u32 s6;
	p1 =	sne.s32 s6, $0xFFFFFFFF  }
0x250: {  	s5 =	sadd.s32 $0x1, s5;
	s6 =	smov.u32 s0;
	s0 =	sadd.s32 $0x1, s0  }
0x251: {  	p2 =	sne.s32 s2, s0;
	v1 =	vld.msk @!p1 [tilespmem:s5+$0x0], $0x1;
	_ =	sdelay $0x4  }
0x252: {  	(v2sf) =	vpush @!p1 v1, $0x0;
	_ =	sdelay $0xe  }
.Ltmp36:
0x253: {  	s8 =	spop @!p1 (v2sf);
	(pc) =	sbr.rel @p2 .LBB2_44-.Ltmp36, $4  }
0x254: {  	p3 =	seq.s32 @!p1 s4, s8  }
0x255: {  	p3 =	por !p3, p1  }
0x256: {  	s6 =	simm.s32 @p3 $0xFFFFFFFF  }
0x257: {  	s6 =	smov.u32 @p1 s7  }
.LBB2_45:
0x258: {  	p1 =	seq.s32 s6, $0xFFFFFFFF  }
.Ltmp37:
0x259: {  	_ = 	snop;
	(pc) =	sbr.rel @p1 .LBB2_47-.Ltmp37, $1  }
0x25a: {  	_ =	sdelay $0x3  }
0x25b: {  	s0 =	sshll.u32 s3, $0x7  }
0x25c: {  	s0 =	sand.u32 $0x3FFFFF80, s0  }
0x25d: {  	v0 =	vld [tilespmem:s0+$0xF238];
	_ =	sdelay $0x2  }
0x25e: {  	s4 =	sshll.u32 s6, $0x9  }
0x25f: {  	s4 =	sshra.s32 s4, $0x2  }
0x260: {  	[tilespmem:s4+$0xF238] =	vst.add.f32.msk $0xffff, v0  }
0x261: {  	v0 =	vld [tilespmem:s0+$0xF248];
	_ =	sdelay $0x4  }
0x262: {  	[tilespmem:s4+$0xF248] =	vst.add.f32.msk $0xffff, v0  }
0x263: {  	v0 =	vld [tilespmem:s0+$0xF258];
	_ =	sdelay $0x4  }
0x264: {  	[tilespmem:s4+$0xF258] =	vst.add.f32.msk $0xffff, v0  }
0x265: {  	v0 =	vld [tilespmem:s0+$0xF268];
	_ =	sdelay $0x4  }
0x266: {  	[tilespmem:s4+$0xF268] =	vst.add.f32.msk $0xffff, v0  }
0x267: {  	v0 =	vld [tilespmem:s0+$0xF278];
	_ =	sdelay $0x4  }
0x268: {  	[tilespmem:s4+$0xF278] =	vst.add.f32.msk $0xffff, v0  }
0x269: {  	v0 =	vld [tilespmem:s0+$0xF288];
	_ =	sdelay $0x4  }
0x26a: {  	[tilespmem:s4+$0xF288] =	vst.add.f32.msk $0xffff, v0  }
0x26b: {  	v0 =	vld [tilespmem:s0+$0xF298];
	_ =	sdelay $0x4  }
0x26c: {  	[tilespmem:s4+$0xF298] =	vst.add.f32.msk $0xffff, v0  }
0x26d: {  	v0 =	vld [tilespmem:s0+$0xF2A8]  }
.Ltmp38:
0x26e: {  	_ = 	snop;
	(pc) =	sbr.rel .LBB2_48-.Ltmp38, $2  }
0x26f: {  	_ =	sdelay $0x2  }
0x270: {  	[tilespmem:s4+$0xF2A8] =	vst.add.f32.msk $0xffff, v0  }
.LBB2_49:
0x271: {  	p1 =	slt.s32 s2, $0x1  }
.Ltmp39:
0x272: {  	_ = 	snop;
	(pc) =	sbr.rel @p1 .LBB2_53-.Ltmp39, $3  }
0x273: {  	_ =	sdelay $0x1  }
0x274: {  	s0 =	simm.s32 $0x8  }
0x275: {  	s3 =	simm.s32 $0x0;
	[sflag:s0] =	ssyncpa.u1 $0x1  }
0x276: {  	s0 =	simm.s32 $0xF218  }
0x277: {  	v0 =	vld.msk [tilespmem:s0+$0x0], $0x1;
	_ =	sdelay $0x4  }
0x278: {  	(v2sf) =	vpush v0, $0x0;
	_ =	sdelay $0xe  }
0x279: {  	s0 =	sadd.s32 $0xFFFFFFFF, s2;
	s5 =	spop (v2sf)  }
0x27a: {  	p2 =	sne.s32 s0, $0x0;
	p1 =	sgt.u32 s5, $0x9C3F0  }
.Ltmp40:
0x27b: {  	s6 =	sand.u32 @!p1 $0xFFFF8, s5;
	(pc) =	sbr.rel @!p2 .LBB2_52-.Ltmp40, $4  }
0x27c: {  	s4 =	simm.s32 $0xF238;
	s5 =	sand.u32 @!p1 $0x7, s5;
	s2 =	sadd.s32 @!p1 s1, s6  }
0x27d: {  	[hbm4b:s2+s5] =	stream.linear.scatter @!p1 [tilespmem:s4], [sflag:$0x7], $0x80, $0x38;
	[tilespmem:$0x1F6F8] =	vst v63  }
0x27e: {  	s5 =	simm.s32 $0x0  }
0x27f: {  	s2 =	simm.s32 $0xF219;
	s5 =	simm.s32 @!p1 $0x200  }
.LBB2_51:
0x280: {  	v0 =	vld.msk [tilespmem:s2+$0x0], $0x1;
	s0 =	sadd.s32 $0xFFFFFFFF, s0;
	s3 =	sadd.s32 s3, s5  }
0x281: {  	p1 =	sne.s32 s0, $0x0;
	_ =	sdelay $0x3  }
0x282: {  	(v2sf) =	vpush v0, $0x0;
	_ =	sdelay $0xe  }
.Ltmp41:
0x283: {  	s6 =	spop (v2sf);
	(pc) =	sbr.rel @p1 .LBB2_51-.Ltmp41, $4  }
0x284: {  	s5 =	simm.s32 $0x0;
	p2 =	sgt.u32 s6, $0x9C3F0  }
0x285: {  	s4 =	sadd.s32 $0x80, s4;
	s5 =	simm.s32 @!p2 $0x200;
	s7 =	sand.u32 @!p2 $0xFFFF8, s6  }
0x286: {  	s2 =	sadd.s32 $0x1, s2;
	s6 =	sand.u32 @!p2 $0x7, s6;
	s7 =	sadd.s32 @!p2 s1, s7  }
0x287: {  	[hbm4b:s7+s6] =	stream.linear.scatter @!p2 [tilespmem:s4], [sflag:$0x7], $0x80, $0x38;
	[tilespmem:$0x1F6F8] =	vst v63  }
.LBB2_52:
0x288: {  	s0 =	sadd.s32 s3, s5  }
0x289: {  	s3 =	sshrl.u32 s0, $0x2  }
.LBB2_53:
0x28a: {  	s0 =	simm.s32 $0x7  }
0x28b: {  	_ =	swait.ge [sflag:s0], s3  }
0x28c: {  	s1 =	ssub.s32 $0x0, s3;
	[sflag:s0] =	ssyncset.done $0x0  }
0x28d: {  	[sflag:s0] =	ssyncadd.s32 s1  }
0x28e: {  	[sflag:s0] =	ssyncpa.u1 $0x1  }
.LBB2_54:
0x28f: {  	_ =	sfence;
	s0 =	simm.s32 $0x1  }
0x290: {  	[sflag:s0] =	ssyncpa.u1 $0x1  }
0x291: {  	_ =	strace $0x9000004A  }
0x292: {  	[bflag:$0x2] =	sbarrier.arrive $0xFFFF  }
0x293: {  	s0 =	rddreg [dreg:$0x4]  }
0x294: {  	s0 =	sadd.s32 @!p0 $0x100000, s0  }
0x295: {  	[sflag:s0] =	ssyncadd.tile.s32 @!p0 $0x1;
	_ =	shalt  }
.Lfunc_end2:
_tile_overlayer_lowered:
.L_overlay_start_2:
0x296: {  	(tag) =	ssettag $0x2  }
0x297: {  	s0 =	rddreg [dreg:$0x0];
	s2 =	stileid.u32  }
0x298: {  	s1 =	rddreg [dreg:$0x1];
	p0 =	sne.s32 s2, $0x0  }
0x299: {  	s3 =	rddreg [dreg:$0x2];
	[bflag:$0x3] =	sbarrier.arrive $0xFFFF;
	s2 =	simm.s32 @!p0 $0x1C01  }
0x29a: {  	[timem:s3], [sflag:s2] =	dma.local @!p0 [hbm:s0], s1  }
0x29b: {  	s0 =	simm.s32 @!p0 $0x1  }
0x29c: {  	_ =	swait.ge @!p0 [sflag:s0], s1  }
0x29d: {  	s1 =	ssub.s32 @!p0 $0x0, s1;
	[sflag:s0] =	ssyncset.done @!p0 $0x0  }
0x29e: {  	[sflag:s0] =	ssyncadd.s32 @!p0 s1  }
0x29f: {  	[bflag:$0x3] =	sbarrier.arrive $0xFFFF  }
0x2a0: {  	_ =	shalt  }

// kernel: scatter_offload_async_start
scs
__scs_entry_jumppad:
0x0: {  	(pc) =	sbr.rel $0x88, $3  }
0x1: {  	(tag) =	ssettag $0x0;
	lr =	simm.s32 $0x1  }
0x2: {  	[smem:$0x3F8C] =	sst lr;
	_ =	strace $0xD0000000  }
0x3: {  	_ = 	snop  }
0x4: {  	_ = 	snop  }
0x5: {  	_ = 	snop  }
0x6: {  	_ = 	snop  }
0x7: {  	_ = 	snop  }
__scs_overlays_trampoline_lowered:
0x8: {  	[smem:$0x3F9B] =	sst s0  }
0x9: {  	[smem:$0x3F9C] =	sst s1  }
0xa: {  	[smem:$0x3F9D] =	sst s2  }
0xb: {  	[smem:$0x3F9E] =	sst s3  }
0xc: {  	[smem:$0x3F9F] =	sst s4  }
0xd: {  	[smem:$0x3FA0] =	sst s5  }
0xe: {  	[smem:$0x3FA1] =	sst s6  }
0xf: {  	[smem:$0x3FA2] =	sst s7  }
0x10: {  	[smem:$0x3FA3] =	sst s8  }
0x11: {  	[smem:$0x3FA4] =	sst s9;
	s0 =	simm.s32 @!p0 $0x0  }
0x12: {  	s1 =	sld [smem:$0x3F8A];
	s0 =	simm.s32 @p0 $0x1  }
0x13: {  	[smem:$0x3FA5] =	sst s0;
	s0 =	simm.s32 @!p1 $0x0  }
0x14: {  	s2 =	sld [smem:$0x3F89];
	s0 =	simm.s32 @p1 $0x1  }
0x15: {  	[smem:$0x3FA6] =	sst s0;
	s0 =	simm.s32 @!p2 $0x0  }
0x16: {  	s3 =	sld [smem:$0x3FDB];
	s0 =	simm.s32 @p2 $0x1  }
0x17: {  	s4 =	simm.s32 $0x1BF5;
	[smem:$0x3FA8] =	sst s0  }
0x18: {  	s0 =	sld [smem:$0x3F8B];
	_ =	swait.ge [sflag:s4], $0x0  }
0x19: {  	s7 =	sld [smem:$0x3F8C]  }
0x1a: {  	s8 =	sadd.s32 $0xFFFFE003, lr  }
0x1b: {  	s9 =	sadd.s32 $0xFFFFFEF7, lr;
	s5 =	simm.s32 $0xFFFFFFFF;
	p2 =	slt.u32 s8, $0xFFFFF086  }
0x1c: {  	p1 =	slt.u32 s9, $0xF7A;
	s5 =	simm.s32 @!p2 $0x0  }
0x1d: {  	s5 =	simm.s32 @p1 $0x1;
	p0 =	seq.s32 s7, s2  }
0x1e: {  	s7 =	smul.u32 @!p0 $0xF7A, s2;
	p2 =	seq.s32 @!p0 s5, $0x0  }
0x1f: {  	s9 =	smul.u32 $0xF7A, s1;
	s8 =	simm.s32 @!p0 $0x1BF5;
	p2 =	por !p2, p0  }
0x20: {  	[sflag:s8] =	ssyncset.s32 @!p0 $0xFFFFF086;
	s6 =	sadd.s32 @!p0 s3, s7;
	s7 =	simm.s32 @!p0 $0x108  }
0x21: {  	s3 =	sadd.s32 s3, s9;
	s6 =	sadd.s32 @!p0 $0x88, s6;
	s7 =	simm.s32 @p2 $0x1082  }
0x22: {  	[simem:s7], [sflag:s8] =	dma.local @!p0 [hbm:s6], $0xF7A  }
0x23: {  	s9 =	sor.u32 $0xD0000000, s2;
	s6 =	simm.s32 $0x108;
	_ =	swait.ge @!p0 [sflag:s8], $0x0  }
0x24: {  	s3 =	sadd.s32 $0x88, s3;
	s6 =	simm.s32 @!p1 $0x1082;
	[sflag:s4] =	ssyncset.s32 $0xFFFFF086  }
0x25: {  	[simem:s6], [sflag:s4] =	dma.local [hbm:s3], $0xF7A  }
0x26: {  	[smem:$0x3F8C] =	sst s1;
	(tag) =	ssettag s2;
	_ =	strace s9  }
0x27: {  	s1 =	sld [smem:$0x3F9C]  }
0x28: {  	s2 =	sld [smem:$0x3F9D]  }
0x29: {  	s4 =	sld [smem:$0x3F9F]  }
0x2a: {  	p0 =	seq.s32 s5, $0x0;
	s5 =	sld [smem:$0x3FA0]  }
0x2b: {  	s6 =	sld [smem:$0x3FA1]  }
0x2c: {  	s7 =	sld [smem:$0x3FA2]  }
0x2d: {  	s3 =	simm.s32 $0x108;
	s8 =	sld [smem:$0x3FA3]  }
0x2e: {  	s3 =	simm.s32 @!p0 $0x1082;
	s9 =	sld [smem:$0x3FA4]  }
0x2f: {  	lr =	sadd.s32 s0, s3;
	s0 =	sld [smem:$0x3F9B]  }
0x30: {  	s3 =	sld [smem:$0x3F9E]  }
0x31: {  	[smem:$0x3FA7] =	sst s10  }
0x32: {  	s10 =	sld [smem:$0x3FA5];
	_ =	sdelay $0x3  }
0x33: {  	p0 =	seq.s32 s10, $0x1;
	s10 =	sld [smem:$0x3FA7];
	_ =	sdelay $0x3  }
0x34: {  	[smem:$0x3FA7] =	sst s10  }
0x35: {  	s10 =	sld [smem:$0x3FA6];
	_ =	sdelay $0x3  }
0x36: {  	p1 =	seq.s32 s10, $0x1;
	s10 =	sld [smem:$0x3FA7];
	_ =	sdelay $0x3  }
0x37: {  	[smem:$0x3FA7] =	sst s10  }
0x38: {  	s10 =	sld [smem:$0x3FA8]  }
0x39: {  	_ = 	snop;
	(pc) =	sbr.ind lr, $3  }
0x3a: {  	_ = 	snop  }
0x3b: {  	_ = 	snop  }
0x3c: {  	p2 =	seq.s32 s10, $0x1;
	s10 =	sld [smem:$0x3FA7]  }
0x3d: {  	_ =	shalt  }
0x3e: {  	_ =	shalt  }
0x3f: {  	_ =	shalt  }
0x40: {  	_ =	shalt  }
0x41: {  	_ =	shalt  }
0x42: {  	_ =	shalt  }
0x43: {  	_ =	shalt  }
0x44: {  	_ =	shalt  }
0x45: {  	_ =	shalt  }
0x46: {  	_ =	shalt  }
0x47: {  	_ =	shalt  }
0x48: {  	_ =	shalt  }
0x49: {  	_ =	shalt  }
0x4a: {  	_ =	shalt  }
0x4b: {  	_ =	shalt  }
0x4c: {  	_ =	shalt  }
0x4d: {  	_ =	shalt  }
0x4e: {  	_ =	shalt  }
0x4f: {  	_ =	shalt  }
0x50: {  	_ =	shalt  }
0x51: {  	_ =	shalt  }
0x52: {  	_ =	shalt  }
0x53: {  	_ =	shalt  }
0x54: {  	_ =	shalt  }
0x55: {  	_ =	shalt  }
0x56: {  	_ =	shalt  }
0x57: {  	_ =	shalt  }
0x58: {  	_ =	shalt  }
0x59: {  	_ =	shalt  }
0x5a: {  	_ =	shalt  }
0x5b: {  	_ =	shalt  }
0x5c: {  	_ =	shalt  }
0x5d: {  	_ =	shalt  }
0x5e: {  	_ =	shalt  }
0x5f: {  	_ =	shalt  }
0x60: {  	_ =	shalt  }
0x61: {  	_ =	shalt  }
0x62: {  	_ =	shalt  }
0x63: {  	_ =	shalt  }
0x64: {  	_ =	shalt  }
0x65: {  	_ =	shalt  }
0x66: {  	_ =	shalt  }
0x67: {  	_ =	shalt  }
0x68: {  	_ =	shalt  }
0x69: {  	_ =	shalt  }
0x6a: {  	_ =	shalt  }
0x6b: {  	_ =	shalt  }
0x6c: {  	_ =	shalt  }
0x6d: {  	_ =	shalt  }
0x6e: {  	_ =	shalt  }
0x6f: {  	_ =	shalt  }
0x70: {  	_ =	shalt  }
0x71: {  	_ =	shalt  }
0x72: {  	_ =	shalt  }
0x73: {  	_ =	shalt  }
0x74: {  	_ =	shalt  }
0x75: {  	_ =	shalt  }
0x76: {  	_ =	shalt  }
0x77: {  	_ =	shalt  }
0x78: {  	_ =	shalt  }
0x79: {  	_ =	shalt  }
0x7a: {  	_ =	shalt  }
0x7b: {  	_ =	shalt  }
0x7c: {  	_ =	shalt  }
0x7d: {  	_ =	shalt  }
0x7e: {  	_ =	shalt  }
0x7f: {  	_ =	shalt  }
0x80: {  	_ =	shalt  }
0x81: {  	_ =	shalt  }
0x82: {  	_ =	shalt  }
0x83: {  	_ =	shalt  }
0x84: {  	_ =	shalt  }
0x85: {  	_ =	shalt  }
0x86: {  	_ =	shalt  }
0x87: {  	_ =	shalt  }
.Lfunc_end0:
.L_simem_size_0:
called_computation_lowered:
.L_overlay_start_0:
0x88: {  	s0 =	sld [smem:$0x3FD9]  }
0x89: {  	s1 =	sld [smem:$0x3FFE];
	_ =	sdelay $0x3  }
0x8a: {  	s0 =	sadd.s32 s1, s0  }
0x8b: {  	[smem:$0x3FB3] =	sst s0  }
0x8c: {  	_ = 	snop  }
0x8d: {  	s0 =	sld [smem:$0x3FD0];
	_ =	sdelay $0x2  }
0x8e: {  	s13 =	simm.s32 $0xB;
	s2 =	simm.s32 $0x10  }
0x8f: {  	[smem:s2], [sflag:s13] =	dma.local [hbm:s0], $0x1  }
0x90: {  	_ =	swait.eq [sflag:s13], $0x1  }
0x91: {  	[sflag:s13] =	ssyncset.done $0x0  }
0x92: {  	[sflag:s13] =	ssyncadd.s32 $0xFFFFFFFF  }
0x93: {  	s14 =	sld [smem:$0x10];
	(tm) =	ssettm $0x1  }
0x94: {  	s15 =	sld [smem:$0x3FFB];
	_ =	sdelay $0x3  }
0x95: {  	_ =	strace s15  }
0x96: {  	s1 =	sld [smem:$0x3FFC];
	_ =	sdelay $0x3  }
0x97: {  	_ =	strace s1  }
0x98: {  	s1 =	sld [smem:$0x3FFD];
	_ =	sdelay $0x3  }
0x99: {  	_ =	strace s1  }
0x9a: {  	_ =	strace $0x8FFFFFFF  }
0x9b: {  	s16 =	sld [smem:$0x3FDB];
	_ =	sdelay $0x1  }
0x9c: {  	s17 =	simm.s32 $_scs_section_size  }
0x9d: {  	s3 =	simm.s32 $_size__tile_overlayer_lowered;
	s4 =	simm.s32 $_tile_overlayer_lowered  }
0x9e: {  	s20 =	simm.s32 $0x1BFF;
	s19 =	sshll.u32 s4, $0x1;
	s1 =	sadd.s32 s17, s16  }
0x9f: {  	s5 =	simm.s32 $0x0;
	s18 =	sshll.u32 s3, $0x1;
	s3 =	sadd.s32 s19, s1  }
0xa0: {  	[timem:s5], [sflag:s20] =	dma.local [hbm:s3], s18  }
0xa1: {  	_ =	swait.ge [sflag:s20], s18  }
0xa2: {  	s2 =	ssub.s32 $0x0, s18;
	[sflag:s20] =	ssyncset.done $0x0  }
0xa3: {  	[sflag:s20] =	ssyncadd.s32 s2;
	_ =	sdelay $0x1  }
0xa4: {  	s21 =	simm.s32 $0x1B8B  }
0xa5: {  	_ =	swait.ge [sflag:s21], $0x1  }
0xa6: {  	[sflag:s21] =	ssyncset.done $0x0  }
0xa7: {  	s23 =	simm.s32 $0x1B8E;
	s22 =	sld [smem:$0x3FFE];
	[sflag:s21] =	ssyncadd.s32 $0xFFFFFFFF  }
0xa8: {  	s24 =	simm.s32 $execute0_lowered;
	[smem:$0x3FD2] =	sst s23  }
0xa9: {  	s3 =	sshll.u32 s24, $0x1;
	_ =	strace $0x80000046;
	[dreg:$0x1] =	wrdreg $0xFFFFFFFF  }
0xaa: {  	s25 =	simm.s32 $_size_execute0_lowered;
	s1 =	sadd.s32 s1, s3;
	[dreg:$0x0] =	wrdreg $0x0  }
0xab: {  	s3 =	sshll.u32 s25, $0x1;
	[dreg:$0x2] =	wrdreg s1  }
0xac: {  	[dreg:$0x3] =	wrdreg s3  }
0xad: {  	[dreg:$0x4] =	wrdreg $0xC0  }
0xae: {  	_ =	task [dreg:s5], $0x5FFFF  }
0xaf: {  	[dreg:$0x1] =	wrdreg $0xFFFFFFFF  }
0xb0: {  	[dreg:$0x0] =	wrdreg $0x60  }
0xb1: {  	[dreg:$0x2] =	wrdreg s14  }
0xb2: {  	[dreg:$0x3] =	wrdreg s22  }
0xb3: {  	[dreg:$0x4] =	wrdreg $0x9  }
0xb4: {  	_ =	task.clear_ibuf [dreg:s5], $0x5FFFF;
	_ =	strace $0x90000046  }
0xb5: {  	s26 =	simm.s32 $0x9;
	_ =	strace $0x80000048  }
0xb6: {  	_ =	swait.ge [sflag:s26], $0x1  }
0xb7: {  	[sflag:s26] =	ssyncadd.s32 $0xFFFFFFFF  }
0xb8: {  	_ =	strace $0x90000048  }
0xb9: {  	_ =	sfence  }
0xba: {  	s28 =	sld [smem:$0x0];
	_ =	sdelay $0x1  }
0xbb: {  	s29 =	srdreg.scid  }
0xbc: {  	s30 =	sshll.u32 s29, $0xD;
	s31 =	sshrl.u32 s29, $0x2  }
0xbd: {  	s2 =	sand.u32 $0x4000, s30;
	s1 =	sand.u32 $0x1, s29;
	s0 =	sadd.s32 s31, s28  }
0xbe: {  	s1 =	sor.u32 s2, s1;
	s0 =	sshll.u32 s0, $0x11  }
0xbf: {  	s0 =	sor.u32 s0, s1  }
0xc0: {  	s0 =	sadd.s32 $0x8F2B, s0  }
0xc1: {  	[sflag:s0] =	ssyncadd.remote.s32 $0x1  }
0xc2: {  	_ =	sfence.sel $0xFFFF  }
0xc3: {  	[dreg:$0x0] =	wrdreg $0xFFFFFFFF;
	(pc) =	sbr.abs _section_cstart, $3  }
0xc4: {  	[dreg:$0x1] =	wrdreg $0xFFFFFFFF  }
0xc5: {  	_ =	task.clear_ibuf [dreg:s5], $0x2FFFF;
	_ =	strace $0x9FFFFFFF  }
0xc6: {  	(tm) =	ssettm $0x7FFFFFFF  }
0xc7: {  	_ =	shalt  }
tec
execute0_lowered:
.L_overlay_start_1:
0x0: {  	(tag) =	ssettag $0x1  }
0x1: {  	s1 =	rddreg [dreg:$0x0]  }
0x2: {  	s0 =	rddreg [dreg:$0x1];
	_ =	strace $0x80000047;
	s15 =	stileid.u32  }
0x3: {  	s2 =	simm.s32 $0x1;
	s4 =	smin.u32 s15, $0x8;
	s3 =	sshll.u32 s15, $0x1  }
0x4: {  	v1 =	vimm.s32 $0xFFFFFFFF;
	[sflag:s2] =	ssyncpa.u1 $0x0;
	s4 =	sadd.s32 s4, s3  }
0x5: {  	s5 =	simm.s32 $0x5DC0;
	p0 =	slt.u32 s15, $0x8;
	[tilespmem:$0x10] =	vst v1;
	s4 =	smul.u32 $0x1F40, s4  }
0x6: {  	v0 =	vimm.f32 $0.0e+00;
	[tilespmem:$0x20] =	vst v1;
	s5 =	simm.s32 @!p0 $0x3E80  }
0x7: {  	[tilespmem:$0x30] =	vst v0;
	s5 =	sadd.s32 s5, s4  }
0x8: {  	[tilespmem:$0x40] =	vst v0;
	s5 =	smin.u32 s5, $0x4E200  }
0x9: {  	s7 =	simm.s32 $0x2;
	[tilespmem:$0x50] =	vst v0;
	s9 =	ssub.s32 s5, s4  }
0xa: {  	s8 =	simm.s32 $0x8;
	s31 =	simm.s32 $0x9;
	[tilespmem:$0x60] =	vst v1;
	p0 =	sgt.s32 s9, $0x0  }
0xb: {  	s16 =	simm.s32 $0x0;
	s17 =	simm.s32 $0xF0;
	[tilespmem:$0x70] =	vst v1;
	s9 =	simm.s32 @!p0 $0x0  }
0xc: {  	s18 =	simm.s32 $0xFFFFFFFF;
	s19 =	simm.s32 $0xFFFFC280;
	[tilespmem:$0x80] =	vst v1;
	s6 =	smulhi.u32 $0x10624DD3, s9  }
0xd: {  	s20 =	simm.s32 $0xFFFFFFFE;
	s21 =	simm.s32 $0xF;
	s25 =	simm.s32 $0x0;
	v1 =	vimm.s32 $0x0;
	[tilespmem:$0xB0] =	vst v0  }
0xe: {  	s24 =	simm.s32 $0x0;
	s15 =	sshllo.u32 s15, $0x1;
	[tilespmem:$0x90] =	vst v1;
	s10 =	sshrl.u32 s6, $0x9  }
0xf: {  	[tilespmem:$0xA0] =	vst v1;
	[sflag:s7] =	ssyncpa.u1 $0x0;
	s7 =	simm.s32 $0x7;
	s11 =	smul.u32 $0x1F40, s10  }
.Ltmp0:
0x10: {  	s13 =	sor.u32 $0x80, s3;
	[sflag:s7] =	ssyncpa.u1 $0x0;
	(pc) =	sbr.rel .LBB2_1-.Ltmp0, $4  }
0x11: {  	s14 =	sor.u32 $0x81, s3;
	[sflag:s8] =	ssyncpa.u1 $0x0;
	p0 =	sne.s32 s9, s11  }
0x12: {  	s23 =	smov.u32 s4;
	[sflag:s31] =	ssyncpa.u1 $0x0;
	s2 =	simm.s32 @!p0 $0x0  }
0x13: {  	vm0 =	vmmov $0xffff;
	v2 =	vlaneseq.u32;
	s6 =	sadd.s32 $0x5600, s0;
	s9 =	sadd.s32 $0x1C200, s0;
	s10 =	sadd.s32 s2, s10  }
0x14: {  	vm1 =	vmxor vm1, vm1;
	vm2 =	vmmov $0x1;
	vm3 =	vcmask $0x3F3C;
	p0 =	por $0x0, $0x0;
	s11 =	sadd.s32 $0x1, s10;
	s12 =	sadd.s32 $0x2, s10  }
.LBB2_9:
0x15: {  	p1 =	slt.u32 s24, $0x3  }
0x16: {  	s0 =	simm.s32 @!p1 $0x2  }
0x17: {  	_ =	swait.ge @!p1 [sflag:s0], $0x1F40  }
0x18: {  	[sflag:s0] =	ssyncset.done @!p1 $0x0  }
0x19: {  	[sflag:s0] =	ssyncadd.s32 @!p1 $0xFFFFE0C0;
	s0 =	simm.s32 @!p1 $0x9  }
0x1a: {  	_ =	swait.ge @!p1 [sflag:s0], $0x10  }
0x1b: {  	[sflag:s0] =	ssyncset.done @!p1 $0x0  }
0x1c: {  	[sflag:s0] =	ssyncadd.s32 @!p1 $0xFFFFFFF0;
	p1 =	sne.s32 s24, s12  }
.Ltmp1:
0x1d: {  	s2 =	sadd.s32 $0x1F40, s23;
	(pc) =	sbr.rel @!p1 .LBB2_10-.Ltmp1, $4  }
0x1e: {  	s22 =	smov.u32 s4;
	s31 =	sadd.s32 $0x1, s24;
	s17 =	sadd.s32 $0x1F40, s17  }
0x1f: {  	s18 =	sadd.s32 $0x1, s18;
	s25 =	smov.u32 s23;
	p2 =	slt.s32 s2, s5  }
0x20: {  	p0 =	por !p0, !p0;
	s19 =	sadd.s32 $0x1F40, s19;
	s22 =	smov.u32 @p2 s2  }
0x21: {  	s20 =	sadd.s32 $0x1, s20;
	s23 =	smov.u32 s22;
	s24 =	smov.u32 s31  }
.LBB2_1:
0x22: {  	p1 =	sge.u32 s24, s10  }
0x23: {  	s0 =	smulhi.u32 @!p1 $0xAAAAAAAB, s24;
	_ =	sdelay $0x1  }
0x24: {  	s0 =	sshrl.u32 @!p1 s0, $0x1  }
0x25: {  	s0 =	smul.u32 @!p1 $0x3, s0;
	_ =	sdelay $0x1  }
0x26: {  	s0 =	ssub.s32 @!p1 s24, s0  }
0x27: {  	s0 =	smul.u32 @!p1 $0x7D00, s0;
	_ =	sdelay $0x1  }
0x28: {  	s2 =	sshrl.u32 @!p1 s23, $0x3;
	s0 =	sshrl.u32 @!p1 s0, $0x2  }
0x29: {  	s22 =	sand.u32 @!p1 $0x7, s23;
	s2 =	sadd.s32 @!p1 s6, s2;
	s0 =	sadd.s32 @!p1 $0x100, s0  }
0x2a: {  	[tilespmem:s0], [sflag:$0x7] =	stream.linear.gather @!p1 [hbm4b:s2+s22], $0x1F40, $0x38;
	[tilespmem:$0x11A60] =	vst v63  }
0x2b: {  	s0 =	sadd.s32 $0xFFFFFFFF, s24  }
0x2c: {  	p1 =	sge.u32 s0, s10  }
.Ltmp2:
0x2d: {  	_ = 	snop;
	(pc) =	sbr.rel @p1 .LBB2_5-.Ltmp2, $1  }
0x2e: {  	_ =	sdelay $0x3  }
0x2f: {  	s2 =	smulhi.u32 $0xAAAAAAAB, s0;
	_ =	sdelay $0x1  }
0x30: {  	s2 =	sshrl.u32 s2, $0x1  }
0x31: {  	s2 =	smul.u32 $0x3, s2;
	_ =	sdelay $0x1  }
0x32: {  	s2 =	ssub.s32 s0, s2  }
0x33: {  	s2 =	smul.u32 $0x7D00, s2  }
0x34: {  	_ =	swait.ge [sflag:s7], $0x1F40  }
0x35: {  	[sflag:s7] =	ssyncset.done $0x0;
	s2 =	sshrl.u32 s2, $0x2  }
0x36: {  	[sflag:s7] =	ssyncadd.s32 $0xFFFFE0C0;
	(ifvalue) =	ssetifvalue $0xFFFFFFFF;
	v3 =	vld.msk [tilespmem:s2+$0x100 ss:$0x1], $0xffff;
	_ =	sdelay $0x2  }
0x37: {  	s30 =	smulhi.u32 $0xAAAAAAAB, s18;
	p1 =	sne.s32 s24, $0x1  }
0x38: {  	v4 =	vimm.s32 @!p1 $0x0  }
0x39: {  	s2 =	sshrl.u32 s30, $0x1;
	v4 =	vperm.xlane @!p1 v3, v4  }
0x3a: {  	s22 =	sshll.u32 s24, $0x4;
	s2 =	smul.u32 $0xFFFE8900, s2;
	vm4 =	vlt.u32 v3, $0xA000  }
0x3b: {  	s22 =	sand.u32 $0x10, s22;
	v3 =	vnsel vm4, $0xFFFFFFFE, v3;
	vm4 =	vlt.u32 @!p1 v4, $0xA000  }
0x3c: {  	s2 =	sshra.s32 s2, $0x2;
	[tilespmem:s22+$0x60] =	vst v3;
	v3 =	vnsel @!p1 vm4, $0xFFFFFFFE, v4  }
0x3d: {  	s28 =	sadd.s32 s2, s17;
	[tilespmem:$0x80] =	vst @!p1 v3  }
0x3e: {  	v3 =	vld.msk [tilespmem:s28+$0x0 ss:$0x1], $0xffff;
	_ =	sdelay $0x4  }
0x3f: {  	(xrf1) =	vunique.msk.u32 $0xffff, v3;
	_ =	sdelay $0xd  }
0x40: {  	v4 =	vimm.s32 $0xFFFFFFFF;
	v5, _, _ =	vpop (xrf1)  }
0x41: {  	vm5 =	vne.s32 v3, v4;
	vm4 =	veq.s32 v5, v2  }
0x42: {  	vm6 =	vlt.u32 v3, $0xA000;
	vm4 =	vmand vm5, vm4  }
0x43: {  	vm4 =	vmand vm6, vm4  }
0x44: {  	v4 =	vnsel vm4, $0xFFFFFFFF, v3  }
0x45: {  	s31 =	sand.u32 $0x1, s0  }
0x46: {  	s0 =	simm.s32 $0x1F40;
	p1 =	seq.s32 s31, $0x1  }
0x47: {  	s0 =	simm.s32 @!p1 $0x0  }
0x48: {  	s26 =	sadd.s32 $0x7DF0, s0;
	(ifvalue) =	ssetifvalue $0xFFFFFFFF  }
0x49: {  	v3 =	vperm.xlane v3, v1;
	[tilespmem:s26], [sflag:$0x8] =	stream.indirect_vreg.gather [hbm4b:s1+s16], $0x1, v4, vm0, $0x4038;
	v4 =	vnsel vm6, $0xFFFFFFFE, v4;
	[tilespmem:$0x11A60] =	vst v63  }
0x4a: {  	s2 =	simm.s32 $0x0;
	s22 =	sadd.s32 $0xFFFFFFF0, s28;
	[tilespmem:s28+$0x0] =	vst v4  }
.LBB2_3:
0x4b: {  	v4 =	vld.msk [tilespmem:s22+$0x0 ss:$0x1], $0xffff;
	s2 =	sadd.s32 $0x10, s2;
	v5 =	vmov v3;
	s28 =	smov.u32 s22  }
0x4c: {  	p1 =	slt.u32 s2, $0x1F30;
	_ =	sdelay $0x4  }
0x4d: {  	v3 =	vperm.xlane v4, v1;
	(xrf1) =	vunique.msk.u32 $0xffff, v4;
	_ =	sdelay $0xd  }
0x4e: {  	v6, _, _ =	vpop (xrf1)  }
0x4f: {  	vm5 =	vne.s32 v4, v5;
	vm4 =	veq.s32 v6, v2  }
0x50: {  	vm6 =	vlt.u32 v4, $0xA000;
	vm4 =	vmand vm5, vm4  }
0x51: {  	vm4 =	vmand vm6, vm4  }
0x52: {  	v4 =	vnsel vm4, $0xFFFFFFFF, v4  }
.Ltmp3:
0x53: {  	v5 =	vnsel vm6, $0xFFFFFFFE, v4;
	(pc) =	sbr.rel @p1 .LBB2_3-.Ltmp3, $3  }
0x54: {  	_ =	sdelay $0x1  }
0x55: {  	s22 =	sadd.s32 $0xFFFFFFF0, s22;
	s26 =	sadd.s32 $0xFFFFFFF0, s26;
	(ifvalue) =	ssetifvalue $0xFFFFFFFF  }
0x56: {  	[tilespmem:s26], [sflag:$0x8] =	stream.indirect_vreg.gather [hbm4b:s1+s16], $0x1, v4, vm0, $0x4038;
	[tilespmem:s28+$0x0] =	vst v5  }
0x57: {  	s2 =	sshrl.u32 s25, $0x3  }
0x58: {  	s0 =	sadd.s32 $0x9D40, s0;
	s2 =	sadd.s32 s9, s2  }
0x59: {  	[tilespmem:s0], [sflag:$0x8] =	stream.linear.gather [hbm:s2], $0x1F40, $0x38;
	[tilespmem:$0x11A60] =	vst v63  }
.LBB2_5:
0x5a: {  	p1 =	slt.u32 s24, $0x2  }
0x5b: {  	p2 =	sge.u32 @!p1 s24, s12  }
0x5c: {  	p1 =	por p1, p2  }
.Ltmp4:
0x5d: {  	_ = 	snop;
	(pc) =	sbr.rel @p1 .LBB2_9-.Ltmp4, $1  }
0x5e: {  	_ =	sdelay $0x3  }
0x5f: {  	s0 =	sadd.s32 $0xFFFFFFFE, s24  }
0x60: {  	s2 =	smulhi.u32 $0xAAAAAAAB, s0;
	_ =	sdelay $0x1  }
0x61: {  	s2 =	sshrl.u32 s2, $0x1  }
0x62: {  	s2 =	smul.u32 $0x3, s2;
	_ =	sdelay $0x1  }
0x63: {  	s0 =	ssub.s32 s0, s2  }
0x64: {  	_ =	swait.ge [sflag:s8], $0x3E80;
	s0 =	smul.u32 $0x1F40, s0  }
0x65: {  	p1 =	sne.s32 s24, s11;
	[sflag:s8] =	ssyncset.done $0x0  }
0x66: {  	[sflag:s8] =	ssyncadd.s32 $0xFFFFC180;
	s2 =	sadd.s32 @!p1 $0x203F, s0  }
0x67: {  	[spmem:s14] =	stream.linear.scatter @!p1 [tilespmem:s2], [sflag:$0x1], $0x1, $0x38;
	[tilespmem:$0x11A60] =	vst v63  }
0x68: {  	s2 =	simm.s32 @!p1 $0x1  }
0x69: {  	_ =	swait.ge @!p1 [sflag:s2], $0x1  }
0x6a: {  	s22 =	sshll.u32 s24, $0x4;
	[sflag:s2] =	ssyncset.done @!p1 $0x0  }
0x6b: {  	s25 =	sand.u32 $0x10, s22;
	[sflag:s2] =	ssyncadd.s32 @!p1 $0xFFFFFFFF  }
0x6c: {  	s2 =	sxor.u32 $0x10, s25;
	v4 =	vld [tilespmem:s25+$0x10]  }
0x6d: {  	v5 =	vld [tilespmem:s2+$0x60]  }
0x6e: {  	v3 =	vld [tilespmem:$0x80];
	_ =	sdelay $0x2  }
0x6f: {  	(v2sf) =	vpush v4, $0x0  }
0x70: {  	(v2sf) =	vpush v5, $0x0  }
0x71: {  	(v2sf) =	vpush v3, $0x0;
	_ =	sdelay $0xc  }
0x72: {  	s22 =	spop (v2sf)  }
0x73: {  	s26 =	spop (v2sf)  }
0x74: {  	s28 =	spop (v2sf)  }
0x75: {  	p2 =	seq.s32 s22, s26;
	p3 =	seq.s32 s28, s22  }
0x76: {  	p3 =	por p2, p3  }
0x77: {  	s26 =	sand.u32 $0x1, s24;
	v4 =	vpsel p3, $0xFFFFFFFF, v4  }
0x78: {  	s29 =	smul.u32 $0x1F40, s26;
	[tilespmem:s25+$0x10] =	vst.msk $0x1, v4  }
0x79: {  	v4 =	vld [tilespmem:$0x30]  }
0x7a: {  	v5 =	vld [tilespmem:s29+$0x9D40]  }
0x7b: {  	v6 =	vld [tilespmem:s25+$0x40];
	_ =	sdelay $0x3  }
0x7c: {  	vm4 =	vmmov vm1;
	v5 =	vadd.f32 v5, v4  }
0x7d: {  	vm5 =	vmmov vm2;
	vm4 =	vmmov @p2 vm2;
	s22 =	sshll.u32 s26, $0x4;
	v4 =	vadd.f32 v6, v4  }
0x7e: {  	s26 =	sor.u32 $0x11A40, s22;
	vm5 =	vmmov @p3 vm1;
	[tilespmem:s29+$0x9D40] =	vst.msk vm4, v5  }
0x7f: {  	[tilespmem:s26+$0x0] =	vst.msk vm5, v4  }
0x80: {  	v4 =	vld [tilespmem:s29+$0x7DF0];
	_ =	sdelay $0x3  }
0x81: {  	v5 =	vimm.f32 $0.0e+00  }
0x82: {  	v4 =	vshift.insert v4, v5, s21  }
0x83: {  	s22 =	sor.u32 $0x40, s2  }
0x84: {  	[tilespmem:s22+$0x0] =	vst.msk $0x1, v4  }
0x85: {  	[tilespmem:s29+$0x7DFF] =	vst.msk $0x1, v5  }
0x86: {  	v4 =	vld [tilespmem:s0+$0x2030];
	_ =	sdelay $0x1  }
0x87: {  	s22 =	smulhi.u32 $0xAAAAAAAB, s20;
	s0 =	simm.s32 $0x1  }
0x88: {  	s0 =	simm.s32 @!p0 $0x0  }
0x89: {  	s22 =	sshrl.u32 s22, $0x1;
	s0 =	smul.u32 $0x7D00, s0  }
0x8a: {  	s22 =	smul.u32 $0xFFFE8900, s22;
	v4 =	vshift.insert v4, v1, s21  }
0x8b: {  	s0 =	sshrl.u32 s0, $0x2  }
0x8c: {  	s22 =	sshra.s32 s22, $0x2;
	s30 =	sadd.s32 $0x9D40, s0;
	[tilespmem:s2+$0x10] =	vst.msk $0x1, v4  }
0x8d: {  	s22 =	sadd.s32 s22, s19;
	v6 =	vld [tilespmem:s30+$0x0]  }
0x8e: {  	v7 =	vld [tilespmem:s22+$0x0];
	_ =	sdelay $0x3  }
0x8f: {  	v5 =	vadd.f32 v6, v5  }
0x90: {  	vm4 =	vne.s32 v7, $0xFFFFFFFF  }
0x91: {  	(xrf2) =	vadd.seg.scan.f32 vm4, v5;
	_ =	sdelay $0x3  }
0x92: {  	s31 =	sadd.s32 $0x5EC0, s0;
	v5 =	vperm.xlane v4, v1  }
0x93: {  	v6 =	vld [tilespmem:s31+$0x0]  }
0x94: {  	vm5 =	veq.s32 v7, v3;
	vm6 =	veq.s32 v7, v5  }
0x95: {  	vm7 =	vgt.u32 v7, $0xFFFFFFFD;
	vm6 =	vmor vm6, vm5  }
0x96: {  	vm6 =	vmor vm6, vm7  }
0x97: {  	v9 =	vld [tilespmem:$0xA0];
	v7 =	vsel vm6, $0xFFFFFFFF, v7  }
0x98: {  	v10 =	vld [tilespmem:$0x90];
	v6 =	vsel vm5, $0x0, v6;
	v8, _, _ =	vpop (xrf2)  }
0x99: {  	v6 =	vadd.f32 v8, v6  }
0x9a: {  	s0 =	sadd.s32 $0xDBC0, s0  }
0x9b: {  	vm4 =	vmand vm4, vm3;
	[tilespmem:s0+$0x0] =	vst v6;
	(ifvalue) =	ssetifvalue $0xFFFFFFFF  }
0x9c: {  	vm6 =	veq.s32 v9, $0x1;
	[hbm4b:s1+s16] =	stream.indirect_vreg.scatter [tilespmem:s0], [sflag:$0x2], $0x1, v7, vm0, $0x4038;
	v7 =	vsel vm4, $0x0, v8;
	[tilespmem:$0x11A60] =	vst v63  }
0x9d: {  	s2 =	simm.s32 $0x0;
	s22 =	sadd.s32 $0x10, s22;
	vm4 =	vmor vm6, vm5;
	v6 =	vsel vm5, v8, v10;
	v7 =	vshift.insert v7, v0, s21  }
.LBB2_7:
0x9e: {  	v8 =	vld [tilespmem:s22+$0x0];
	s30 =	sadd.s32 $0x10, s30  }
0x9f: {  	s31 =	sadd.s32 $0x10, s31;
	v9 =	vld [tilespmem:s30+$0x0]  }
0xa0: {  	s2 =	sadd.s32 $0x10, s2;
	v10 =	vld [tilespmem:s31+$0x0]  }
0xa1: {  	p2 =	slt.u32 s2, $0x1F30;
	_ =	sdelay $0x2  }
0xa2: {  	v7 =	vadd.f32 v9, v7  }
0xa3: {  	vm5 =	vne.s32 v8, $0xFFFFFFFF  }
0xa4: {  	vm6 =	vmand vm5, vm3;
	(xrf2) =	vadd.seg.scan.f32 vm5, v7;
	_ =	sdelay $0x5  }
0xa5: {  	vm7 =	veq.s32 v8, v5;
	vm5 =	veq.s32 v8, v3  }
0xa6: {  	vm8 =	vgt.u32 v8, $0xFFFFFFFD;
	vm4 =	vmor vm4, vm5;
	vm7 =	vmor vm7, vm5  }
0xa7: {  	vm7 =	vmor vm7, vm8  }
0xa8: {  	v8 =	vsel vm7, $0xFFFFFFFF, v8  }
.Ltmp5:
0xa9: {  	v7 =	vsel vm5, $0x0, v10;
	v9, _, _ =	vpop (xrf2);
	(pc) =	sbr.rel @p2 .LBB2_7-.Ltmp5, $4  }
0xaa: {  	v6 =	vsel vm5, v9, v6;
	v10 =	vadd.f32 v9, v7;
	v7 =	vsel vm6, $0x0, v9  }
0xab: {  	s0 =	sadd.s32 $0x10, s0;
	v7 =	vshift.insert v7, v0, s21  }
0xac: {  	s22 =	sadd.s32 $0x10, s22;
	[tilespmem:s0+$0x0] =	vst v10;
	(ifvalue) =	ssetifvalue $0xFFFFFFFF  }
0xad: {  	[hbm4b:s1+s16] =	stream.indirect_vreg.scatter [tilespmem:s0], [sflag:$0x2], $0x1, v8, vm0, $0x4038;
	[tilespmem:$0x11A60] =	vst v63  }
0xae: {  	v3 =	vld [tilespmem:s29+$0xFAF0];
	_ =	sdelay $0x4  }
0xaf: {  	v3 =	vshift.insert v3, v0, s21  }
0xb0: {  	s0 =	simm.s32 $0x30  }
0xb1: {  	[tilespmem:s0+$0x0] =	vst.msk $0x1, v3  }
0xb2: {  	v3 =	vsel vm4, $0x1, v1;
	[tilespmem:$0x90] =	vst v6  }
0xb3: {  	s0 =	sadd.s32 @!p1 $0xFAFF, s29;
	[tilespmem:$0xA0] =	vst v3  }
0xb4: {  	[spmem:s15] =	stream.linear.scatter @!p1 [tilespmem:s0], [sflag:$0x1], $0x1, $0x38;
	[tilespmem:$0x11A60] =	vst v63  }
0xb5: {  	s0 =	simm.s32 @!p1 $0x1  }
0xb6: {  	v3 =	vmctz.xlane @!p1 vm4;
	_ =	swait.ge @!p1 [sflag:s0], $0x1  }
0xb7: {  	(v2sf) =	vpush @!p1 v4, $0x0  }
0xb8: {  	(v2sf) =	vpush @!p1 v3, $0x0;
	_ =	sdelay $0xd  }
0xb9: {  	s2 =	spop @!p1 (v2sf)  }
0xba: {  	s22 =	spop @!p1 (v2sf)  }
0xbb: {  	p2 =	sne.s32 @!p1 s28, s2;
	p3 =	slt.s32 @!p1 s22, $0xF  }
0xbc: {  	[sflag:s0] =	ssyncset.done @!p1 $0x0;
	p2 =	por p2, p1;
	p3 =	por !p3, p1  }
0xbd: {  	[sflag:s0] =	ssyncadd.s32 @!p1 $0xFFFFFFFF;
	v3 =	vimm.s32 @!p2 $0xFFFFFFFF;
	s22 =	simm.s32 @p3 $0xF  }
0xbe: {  	[tilespmem:$0x80] =	vst @!p2 v3;
	s2 =	sadd.s32 @!p1 $0x90, s22  }
0xbf: {  	[spmem:s3] =	stream.linear.scatter @!p1 [tilespmem:s2], [sflag:$0x1], $0x1, $0x38;
	[tilespmem:$0x11A60] =	vst v63  }
0xc0: {  	_ =	swait.ge @!p1 [sflag:s0], $0x1  }
0xc1: {  	[sflag:s0] =	ssyncset.done @!p1 $0x0  }
0xc2: {  	s2 =	simm.s32 @!p1 $0x80;
	[sflag:s0] =	ssyncadd.s32 @!p1 $0xFFFFFFFF  }
0xc3: {  	[spmem:s13] =	stream.linear.scatter @!p1 [tilespmem:s2], [sflag:$0x1], $0x1, $0x38;
	[tilespmem:$0x11A60] =	vst v63  }
0xc4: {  	_ =	swait.ge @!p1 [sflag:s0], $0x1  }
0xc5: {  	[sflag:s0] =	ssyncset.done @!p1 $0x0  }
0xc6: {  	[sflag:s0] =	ssyncadd.s32 @!p1 $0xFFFFFFFF;
	(ifvalue) =	ssetifvalue $0xFFFFFFFF;
	v3 =	vld [tilespmem:s25+$0x10];
	_ =	sdelay $0x3  }
.Ltmp6:
0xc7: {  	_ = 	snop;
	(pc) =	sbr.rel .LBB2_9-.Ltmp6, $3  }
0xc8: {  	_ =	sdelay $0x1  }
0xc9: {  	(ifvalue) =	ssetifvalue $0xFFFFFFFF  }
0xca: {  	[hbm4b:s1+s16] =	stream.indirect_vreg.scatter [tilespmem:s26], [sflag:$0x9], $0x1, v3, vm0, $0x4038;
	[tilespmem:$0x11A60] =	vst v63  }
.LBB2_10:
0xcb: {  	_ =	sfence.sel $0x180000  }
0xcc: {  	s0 =	simm.s32 $0x7;
	[bflag:$0x0] =	sbarrier.arrive $0xFFFF  }
0xcd: {  	s26 =	simm.s32 $0x8;
	[sflag:s0] =	ssyncpa.u1 $0x1  }
0xce: {  	s28 =	simm.s32 $0x9;
	[sflag:s26] =	ssyncpa.u1 $0x1  }
0xcf: {  	[sflag:s28] =	ssyncpa.u1 $0x1  }
0xd0: {  	_ =	sfence.stream.spmem  }
0xd1: {  	s29 =	simm.s32 $0x3;
	[bflag:$0x0] =	sbarrier.arrive $0xFFFF  }
0xd2: {  	s30 =	simm.s32 $0x4;
	[sflag:s29] =	ssyncpa.u1 $0x1  }
0xd3: {  	s31 =	simm.s32 $0x3C;
	s2 =	stileid.u32;
	[sflag:s30] =	ssyncpa.u1 $0x1  }
0xd4: {  	p0 =	sne.s32 s2, $0x0;
	[sflag:s31] =	ssyncpa.u1 $0x1  }
0xd5: {  	s0 =	simm.s32 @p0 $0x1;
	_ =	sfence @p0  }
0xd6: {  	[sflag:s0] =	ssyncpa.u1 @p0 $0x1;
	s0 =	simm.s32 @p0 $0x2  }
0xd7: {  	[sflag:s0] =	ssyncpa.u1 @p0 $0x1  }
0xd8: {  	_ =	strace @p0 $0x90000047  }
0xd9: {  	[bflag:$0x2] =	sbarrier.arrive @p0 $0xFFFF  }
0xda: {  	_ =	shalt @p0  }
.LBB2_11:
0xdb: {  	_ =	sfence.stream.spmem;
	s0 =	simm.s32 $0x5  }
0xdc: {  	s2 =	simm.s32 $0x80;
	s3 =	simm.s32 $0xC0;
	[sflag:s0] =	ssyncpa.u1 $0x0  }
0xdd: {  	[tilespmem:s3], [sflag:$0x5] =	stream.linear.gather [spmem:s2], $0x20, $0x38;
	[tilespmem:$0x11A60] =	vst v63  }
0xde: {  	s2 =	simm.s32 $0x0;
	s3 =	simm.s32 $0xE0  }
0xdf: {  	[tilespmem:s3], [sflag:$0x5] =	stream.linear.gather [spmem:s2], $0x20, $0x38;
	[tilespmem:$0x11A60] =	vst v63  }
.Ltmp7:
0xe0: {  	_ = 	snop;
	(pc) =	sbr.rel .LBB2_12-.Ltmp7, $4  }
0xe1: {  	_ =	swait.ge [sflag:s0], $0x40  }
0xe2: {  	[sflag:s0] =	ssyncset.done $0x0  }
0xe3: {  	s31 =	simm.s32 $0x6;
	[sflag:s0] =	ssyncadd.s32 $0xFFFFFFC0  }
0xe4: {  	s4 =	simm.s32 $0x0;
	[sflag:s31] =	ssyncpa.u1 $0x0  }
.LBB2_17:
0xe5: {  	p0 =	sgt.u32 s5, $0x9FFF  }
0xe6: {  	s0 =	sshrl.u32 @!p0 s5, $0x3  }
0xe7: {  	s5 =	sand.u32 @!p0 $0x7, s5;
	s6 =	simm.s32 @!p0 $0xB0;
	s0 =	sadd.s32 @!p0 s1, s0  }
0xe8: {  	[tilespmem:s6], [sflag:$0x6] =	stream.linear.gather @!p0 [hbm4b:s0+s5], $0x1, $0x38;
	[tilespmem:$0x11A60] =	vst v63  }
0xe9: {  	s0 =	simm.s32 @!p0 $0x6  }
0xea: {  	_ =	swait.ge @!p0 [sflag:s0], $0x1  }
0xeb: {  	[sflag:s0] =	ssyncset.done @!p0 $0x0  }
0xec: {  	[sflag:s0] =	ssyncadd.s32 @!p0 $0xFFFFFFFF  }
0xed: {  	v2 =	vmov @!p0 s4;
	v1 =	vld.msk @!p0 [tilespmem:$0xB0], $0x1;
	_ =	sdelay $0x3  }
0xee: {  	s0 =	simm.s32 @!p0 $0xE0  }
0xef: {  	[tilespmem:v2+s0+$0x0], v1 =	vst.idx.ret.add.f32.msk @!p0 $0x1, v1  }
0xf0: {  	[tilespmem:s2+$0xC0] =	vst.msk $0x1, v0  }
0xf1: {  	v0 =	vld.msk [tilespmem:s4+$0xE0], $0x1;
	_ =	sdelay $0x4  }
0xf2: {  	[tilespmem:s2+$0xE0] =	vst.msk $0x1, v0;
	s2 =	sadd.s32 $0x1, s2  }
.LBB2_19:
0xf3: {  	s4 =	sadd.s32 $0x1, s4  }
0xf4: {  	p0 =	sne.s32 s4, $0x20  }
.Ltmp8:
0xf5: {  	_ = 	snop;
	(pc) =	sbr.rel @!p0 .LBB2_20-.Ltmp8, $1  }
0xf6: {  	_ =	sdelay $0x3  }
.LBB2_12:
0xf7: {  	v0 =	vld.msk [tilespmem:s4+$0xC0], $0x1;
	_ =	sdelay $0x4  }
0xf8: {  	(v2sf) =	vpush v0, $0x0;
	_ =	sdelay $0xe  }
0xf9: {  	s5 =	spop (v2sf)  }
0xfa: {  	p0 =	seq.s32 s5, $0xFFFFFFFF  }
.Ltmp9:
0xfb: {  	_ = 	snop;
	(pc) =	sbr.rel @p0 .LBB2_19-.Ltmp9, $1  }
0xfc: {  	_ =	sdelay $0x3  }
0xfd: {  	p0 =	slt.s32 s2, $0x1  }
.Ltmp10:
0xfe: {  	_ = 	snop;
	(pc) =	sbr.rel @p0 .LBB2_17-.Ltmp10, $1  }
0xff: {  	_ =	sdelay $0x3  }
0x100: {  	s0 =	simm.s32 $0xC0;
	p0 =	por $0x0, $0x0  }
0x101: {  	v1 =	vld.msk @!p0 [tilespmem:s0+$0x0], $0x1;
	_ =	sdelay $0x4  }
0x102: {  	(v2sf) =	vpush @!p0 v1, $0x0;
	_ =	sdelay $0xd  }
0x103: {  	p2 =	sne.s32 s2, $0x1  }
.Ltmp11:
0x104: {  	s6 =	spop @!p0 (v2sf);
	(pc) =	sbr.rel @!p2 .LBB2_16-.Ltmp11, $4  }
0x105: {  	p1 =	seq.s32 @!p0 s5, s6  }
0x106: {  	s6 =	simm.s32 $0x0;
	p1 =	por !p1, p0  }
0x107: {  	s8 =	simm.s32 $0xFFFFFFFF;
	s6 =	simm.s32 @p1 $0xFFFFFFFF  }
0x108: {  	s7 =	simm.s32 $0x1;
	s6 =	smov.u32 @p0 s8  }
.LBB2_15:
0x109: {  	s8 =	smov.u32 s6;
	p0 =	sne.s32 s6, $0xFFFFFFFF  }
0x10a: {  	s0 =	sadd.s32 $0x1, s0;
	s6 =	smov.u32 s7;
	s7 =	sadd.s32 $0x1, s7  }
0x10b: {  	p1 =	sne.s32 s2, s7;
	v1 =	vld.msk @!p0 [tilespmem:s0+$0x0], $0x1;
	_ =	sdelay $0x4  }
0x10c: {  	(v2sf) =	vpush @!p0 v1, $0x0;
	_ =	sdelay $0xe  }
.Ltmp12:
0x10d: {  	s9 =	spop @!p0 (v2sf);
	(pc) =	sbr.rel @p1 .LBB2_15-.Ltmp12, $4  }
0x10e: {  	p2 =	seq.s32 @!p0 s5, s9  }
0x10f: {  	p2 =	por !p2, p0  }
0x110: {  	s6 =	simm.s32 @p2 $0xFFFFFFFF  }
0x111: {  	s6 =	smov.u32 @p0 s8  }
.LBB2_16:
0x112: {  	p0 =	sne.s32 s6, $0xFFFFFFFF  }
.Ltmp13:
0x113: {  	_ = 	snop;
	(pc) =	sbr.rel @!p0 .LBB2_17-.Ltmp13, $1  }
0x114: {  	_ =	sdelay $0x3  }
0x115: {  	v0 =	vld.msk [tilespmem:s4+$0xE0], $0x1;
	v1 =	vmov s6  }
.Ltmp14:
0x116: {  	_ = 	snop;
	(pc) =	sbr.rel .LBB2_19-.Ltmp14, $2  }
0x117: {  	_ =	sdelay $0x2  }
0x118: {  	[tilespmem:v1+s3+$0x0], v0 =	vst.idx.ret.add.f32.msk $0x1, v0  }
.LBB2_20:
0x119: {  	p0 =	slt.s32 s2, $0x1  }
.Ltmp15:
0x11a: {  	_ = 	snop;
	(pc) =	sbr.rel @p0 .LBB2_24-.Ltmp15, $3  }
0x11b: {  	_ =	sdelay $0x1  }
0x11c: {  	s0 =	simm.s32 $0x6  }
0x11d: {  	s3 =	simm.s32 $0x0;
	[sflag:s0] =	ssyncpa.u1 $0x1  }
0x11e: {  	s0 =	simm.s32 $0xC0  }
0x11f: {  	v0 =	vld.msk [tilespmem:s0+$0x0], $0x1;
	_ =	sdelay $0x4  }
0x120: {  	(v2sf) =	vpush v0, $0x0;
	_ =	sdelay $0xe  }
0x121: {  	s2 =	sadd.s32 $0xFFFFFFFF, s2;
	s4 =	spop (v2sf)  }
0x122: {  	p1 =	sne.s32 s2, $0x0;
	p0 =	sgt.u32 s4, $0x9FFF  }
.Ltmp16:
0x123: {  	s5 =	sshrl.u32 @!p0 s4, $0x3;
	(pc) =	sbr.rel @!p1 .LBB2_23-.Ltmp16, $4  }
0x124: {  	s0 =	simm.s32 $0xE0;
	s4 =	sand.u32 @!p0 $0x7, s4;
	s5 =	sadd.s32 @!p0 s1, s5  }
0x125: {  	[hbm4b:s5+s4] =	stream.linear.scatter @!p0 [tilespmem:s0], [sflag:$0x5], $0x1, $0x38;
	[tilespmem:$0x11A60] =	vst v63  }
0x126: {  	s5 =	simm.s32 $0x0  }
0x127: {  	s4 =	simm.s32 $0xC1;
	s5 =	simm.s32 @!p0 $0x4  }
.LBB2_22:
0x128: {  	v0 =	vld.msk [tilespmem:s4+$0x0], $0x1;
	s2 =	sadd.s32 $0xFFFFFFFF, s2;
	s3 =	sadd.s32 s3, s5  }
0x129: {  	p0 =	sne.s32 s2, $0x0;
	_ =	sdelay $0x3  }
0x12a: {  	(v2sf) =	vpush v0, $0x0;
	_ =	sdelay $0xe  }
.Ltmp17:
0x12b: {  	s6 =	spop (v2sf);
	(pc) =	sbr.rel @p0 .LBB2_22-.Ltmp17, $4  }
0x12c: {  	s5 =	simm.s32 $0x0;
	p1 =	sgt.u32 s6, $0x9FFF  }
0x12d: {  	s0 =	sadd.s32 $0x1, s0;
	s5 =	simm.s32 @!p1 $0x4;
	s7 =	sshrl.u32 @!p1 s6, $0x3  }
0x12e: {  	s4 =	sadd.s32 $0x1, s4;
	s6 =	sand.u32 @!p1 $0x7, s6;
	s7 =	sadd.s32 @!p1 s1, s7  }
0x12f: {  	[hbm4b:s7+s6] =	stream.linear.scatter @!p1 [tilespmem:s0], [sflag:$0x5], $0x1, $0x38;
	[tilespmem:$0x11A60] =	vst v63  }
.LBB2_23:
0x130: {  	s0 =	sadd.s32 s3, s5  }
0x131: {  	s3 =	sshrl.u32 s0, $0x2  }
.LBB2_24:
0x132: {  	s0 =	simm.s32 $0x5  }
0x133: {  	_ =	swait.ge [sflag:s0], s3  }
0x134: {  	s1 =	ssub.s32 $0x0, s3;
	[sflag:s0] =	ssyncset.done $0x0  }
0x135: {  	[sflag:s0] =	ssyncadd.s32 s1  }
0x136: {  	[sflag:s0] =	ssyncpa.u1 $0x1  }
0x137: {  	s29 =	simm.s32 $0x1;
	_ =	sfence  }
0x138: {  	s30 =	simm.s32 $0x2;
	[sflag:s29] =	ssyncpa.u1 $0x1  }
0x139: {  	[sflag:s30] =	ssyncpa.u1 $0x1  }
0x13a: {  	_ =	strace $0x90000047  }
0x13b: {  	[bflag:$0x2] =	sbarrier.arrive $0xFFFF  }
0x13c: {  	s31 =	rddreg [dreg:$0x2]  }
0x13d: {  	s0 =	sadd.s32 $0x100000, s31  }
0x13e: {  	[sflag:s0] =	ssyncadd.tile.s32 $0x1;
	_ =	shalt  }
.Lfunc_end2:
_tile_overlayer_lowered:
.L_overlay_start_2:
0x13f: {  	(tag) =	ssettag $0x2  }
0x140: {  	s0 =	rddreg [dreg:$0x0];
	s2 =	stileid.u32  }
0x141: {  	s1 =	rddreg [dreg:$0x1];
	p0 =	sne.s32 s2, $0x0  }
0x142: {  	s3 =	rddreg [dreg:$0x2];
	[bflag:$0x3] =	sbarrier.arrive $0xFFFF;
	s2 =	simm.s32 @!p0 $0x1C01  }
0x143: {  	[timem:s3], [sflag:s2] =	dma.local @!p0 [hbm:s0], s1  }
0x144: {  	s0 =	simm.s32 @!p0 $0x1  }
0x145: {  	_ =	swait.ge @!p0 [sflag:s0], s1  }
0x146: {  	s1 =	ssub.s32 @!p0 $0x0, s1;
	[sflag:s0] =	ssyncset.done @!p0 $0x0  }
0x147: {  	[sflag:s0] =	ssyncadd.s32 @!p0 s1  }
0x148: {  	[bflag:$0x3] =	sbarrier.arrive $0xFFFF  }
0x149: {  	_ =	shalt  }

</sc_bundles>
